<compile_context>
chip_gen: v7x
topology: tpu7x:2x2x1
jax: 0.10.2.dev20260603
libtpu: 0.0.44.dev20260713+nightly
codegen_flags: <defaults>
</compile_context>

<pallas_src>
import functools

import jax
import jax.numpy as jnp
from jax import lax
from jax.experimental import pallas as pl
from jax.experimental.pallas import tpu as pltpu
from jax.experimental.pallas import tpu_sc as plsc

N_NODES = 10000
N_EDGES = 320000
D_FEAT = 128

NC = 2
NS = 16
NW = NC * NS

CHUNK_A = 128
N_CHUNKS_A = N_EDGES // CHUNK_A
CPW_A = N_CHUNKS_A // NW
BATCH_A = 78
N_BATCH_A = CPW_A // BATCH_A
EXTRA_BASE_A = NW * CPW_A
N_EXTRA_A = N_CHUNKS_A - EXTRA_BASE_A

CHUNK = 128
N_CHUNKS_TOT = N_EDGES // CHUNK
CPW = N_CHUNKS_TOT // NW
NPAIR = CPW // 2
EXTRA_BASE = NW * CPW
N_EXTRA = N_CHUNKS_TOT - EXTRA_BASE

ROWS_PER_S = 624
ROWS_REM = N_NODES - NS * ROWS_PER_S
REM_BASE = NS * ROWS_PER_S

_MESH = plsc.VectorSubcoreMesh(core_axis_name="c", subcore_axis_name="s")


@functools.partial(
    pl.kernel,
    out_type=jax.ShapeDtypeStruct((NC, 2, N_NODES), jnp.float32),
    mesh=_MESH,
    scratch_types=[
        pltpu.VMEM((CPW_A, 1, CHUNK_A), jnp.int32),
        pltpu.VMEM((CPW_A, 1, CHUNK_A), jnp.int32),
        pltpu.VMEM((CHUNK_A,), jnp.float32),
        pltpu.VMEM((2, N_NODES), jnp.float32),
        pltpu.VMEM_SHARED((N_NODES,), jnp.float32),
        pltpu.VMEM_SHARED((N_NODES,), jnp.float32),
        pltpu.SemaphoreType.DMA,
    ],
)
def _sc_degrees(src_hbm, dst_hbm, ones_hbm, zeros_hbm, out_hbm,
                sidx, didx, ones_v, stage, deg_s, deg_d, sem):
    c = lax.axis_index("c")
    s = lax.axis_index("s")
    wid = s * NC + c

    @pl.when(s == 0)
    def _():
        pltpu.sync_copy(zeros_hbm, deg_s)

    @pl.when(s == 1)
    def _():
        pltpu.sync_copy(zeros_hbm, deg_d)

    pltpu.async_copy(src_hbm.at[pl.ds(wid * CPW_A, CPW_A)], sidx, sem)
    pltpu.async_copy(dst_hbm.at[pl.ds(wid * CPW_A, CPW_A)], didx, sem)
    pltpu.sync_copy(ones_hbm, ones_v)
    pltpu.make_async_copy(src_hbm.at[pl.ds(0, CPW_A)], sidx, sem).wait()
    pltpu.make_async_copy(dst_hbm.at[pl.ds(0, CPW_A)], didx, sem).wait()
    plsc.subcore_barrier()

    def drain_one(t, carry):
        pltpu.make_async_copy(
            ones_v, deg_s.at[sidx.at[0, 0]], sem).wait()
        return carry

    def batch(b, carry):
        def fire(t, carry2):
            j = b * BATCH_A + t
            pltpu.async_copy(ones_v, deg_s.at[sidx.at[j, 0]], sem, add=True)
            pltpu.async_copy(ones_v, deg_d.at[didx.at[j, 0]], sem, add=True)
            return carry2

        lax.fori_loop(0, BATCH_A, fire, 0)
        lax.fori_loop(0, 2 * BATCH_A, drain_one, 0)
        return carry

    lax.fori_loop(0, N_BATCH_A, batch, 0)

    @pl.when(wid < N_EXTRA_A)
    def _():
        pltpu.sync_copy(src_hbm.at[pl.ds(EXTRA_BASE_A + wid, 1)], sidx.at[pl.ds(0, 1)])
        pltpu.sync_copy(dst_hbm.at[pl.ds(EXTRA_BASE_A + wid, 1)], didx.at[pl.ds(0, 1)])
        pltpu.sync_copy(ones_v, deg_s.at[sidx.at[0, 0]], add=True)
        pltpu.sync_copy(ones_v, deg_d.at[didx.at[0, 0]], add=True)

    plsc.subcore_barrier()

    @pl.when(s == 0)
    def _():
        pltpu.sync_copy(deg_s, stage.at[0])
        pltpu.sync_copy(deg_d, stage.at[1])
        pltpu.sync_copy(stage, out_hbm.at[c])


@functools.partial(
    pl.kernel,
    out_type=jax.ShapeDtypeStruct((NC, N_NODES, D_FEAT), jnp.float32),
    mesh=_MESH,
    scratch_types=[
        pltpu.VMEM((4, 1, CHUNK), jnp.int32),
        pltpu.VMEM((4, 1, CHUNK), jnp.int32),
        pltpu.VMEM((CHUNK, D_FEAT), jnp.float32),
        pltpu.VMEM((CHUNK, D_FEAT), jnp.float32),
        pltpu.VMEM_SHARED((N_NODES, D_FEAT), jnp.float32),
        pltpu.SemaphoreType.DMA,
        pltpu.SemaphoreType.DMA,
        pltpu.SemaphoreType.DMA,
        pltpu.SemaphoreType.DMA,
        pltpu.SemaphoreType.DMA,
    ],
)
def _sc_scatter(feat_hbm, src_hbm, dst_hbm, zrows_hbm, out_hbm,
                sidx, didx, rows_a, rows_b, acc,
                gsem_a, gsem_b, isem_a, isem_b, zsem):
    c = lax.axis_index("c")
    s = lax.axis_index("s")
    wid = s * NC + c
    base = wid * CPW

    pltpu.async_copy(zrows_hbm, acc.at[pl.ds(s * ROWS_PER_S, ROWS_PER_S)], zsem)

    @pl.when(s == 0)
    def _():
        pltpu.sync_copy(zrows_hbm.at[pl.ds(0, ROWS_REM)],
                        acc.at[pl.ds(REM_BASE, ROWS_REM)])

    def istart(j, slot, isem):
        pltpu.async_copy(src_hbm.at[pl.ds(base + j, 1)], sidx.at[pl.ds(slot, 1)], isem)
        pltpu.async_copy(dst_hbm.at[pl.ds(base + j, 1)], didx.at[pl.ds(slot, 1)], isem)

    def iwait(isem):
        pltpu.make_async_copy(src_hbm.at[pl.ds(0, 1)], sidx.at[pl.ds(0, 1)], isem).wait()
        pltpu.make_async_copy(dst_hbm.at[pl.ds(0, 1)], didx.at[pl.ds(0, 1)], isem).wait()

    def gstart(slot, buf, gsem):
        pltpu.async_copy(feat_hbm.at[sidx.at[slot, 0]], buf, gsem)

    def gwait(buf, gsem):
        pltpu.make_async_copy(feat_hbm.at[sidx.at[0, 0]], buf, gsem).wait()

    def scatter(slot, buf):
        pltpu.sync_copy(buf, acc.at[didx.at[slot, 0]], add=True)

    istart(0, 0, isem_a)
    iwait(isem_a)
    gstart(0, rows_a, gsem_a)
    istart(1, 1, isem_b)
    pltpu.make_async_copy(
        zrows_hbm, acc.at[pl.ds(s * ROWS_PER_S, ROWS_PER_S)], zsem).wait()
    plsc.subcore_barrier()

    def body(i, carry):
        j0 = 2 * i
        s1 = (j0 + 1) & 3
        s2 = (j0 + 2) & 3
        s3 = (j0 + 3) & 3
        gwait(rows_a, gsem_a)
        iwait(isem_b)
        gstart(s1, rows_b, gsem_b)
        scatter(j0 & 3, rows_a)

        @pl.when(i < NPAIR - 1)
        def _():
            istart(j0 + 2, s2, isem_a)

        gwait(rows_b, gsem_b)

        @pl.when(i < NPAIR - 1)
        def _():
            iwait(isem_a)
            gstart(s2, rows_a, gsem_a)

        scatter(s1, rows_b)

        @pl.when(i < NPAIR - 1)
        def _():
            istart(j0 + 3, s3, isem_b)

        return carry

    lax.fori_loop(0, NPAIR, body, 0)

    @pl.when(wid < N_EXTRA)
    def _():
        pltpu.async_copy(src_hbm.at[pl.ds(EXTRA_BASE + wid, 1)],
                         sidx.at[pl.ds(0, 1)], isem_a)
        pltpu.async_copy(dst_hbm.at[pl.ds(EXTRA_BASE + wid, 1)],
                         didx.at[pl.ds(0, 1)], isem_a)
        iwait(isem_a)
        gstart(0, rows_a, gsem_a)
        gwait(rows_a, gsem_a)
        scatter(0, rows_a)

    plsc.subcore_barrier()

    pltpu.sync_copy(acc.at[pl.ds(s * ROWS_PER_S, ROWS_PER_S)],
                    out_hbm.at[c, pl.ds(s * ROWS_PER_S, ROWS_PER_S)])

    @pl.when(s == 0)
    def _():
        pltpu.sync_copy(acc.at[pl.ds(REM_BASE, ROWS_REM)],
                        out_hbm.at[c, pl.ds(REM_BASE, ROWS_REM)])


TC_BLK = 1000
TC_GRID = N_NODES // TC_BLK


def _tc_norm_body(x_ref, degs_ref, feat_ref):
    deg = degs_ref[0, 0, :] + degs_ref[1, 0, :]
    norm = lax.rsqrt(jnp.maximum(deg, 1.0))
    feat_ref[...] = x_ref[...] * norm[:, None]


def _tc_final_body(p_ref, degs_ref, out_ref):
    deg = degs_ref[0, 1, :] + degs_ref[1, 1, :]
    norm = lax.rsqrt(jnp.maximum(deg, 1.0))
    out_ref[...] = (p_ref[0] + p_ref[1]) * norm[:, None]


def kernel(x, edge_index):
    srcA = edge_index[0].reshape(N_CHUNKS_A, 1, CHUNK_A)
    dstA = edge_index[1].reshape(N_CHUNKS_A, 1, CHUNK_A)
    srcC, dstC = srcA, dstA
    ones = jnp.ones((CHUNK_A,), jnp.float32)
    zeros1 = jnp.zeros((N_NODES,), jnp.float32)
    zrows = jnp.zeros((ROWS_PER_S, D_FEAT), jnp.float32)

    degs = _sc_degrees(srcA, dstA, ones, zeros1)

    feat = pl.pallas_call(
        _tc_norm_body,
        out_shape=jax.ShapeDtypeStruct((N_NODES, D_FEAT), jnp.float32),
    )(x, degs)

    parts = _sc_scatter(feat, srcC, dstC, zrows)

    out = pl.pallas_call(
        _tc_final_body,
        out_shape=jax.ShapeDtypeStruct((N_NODES, D_FEAT), jnp.float32),
    )(parts, degs)
    return out

# --- scband reference (transcript-rebuilt; emitter-appended) ---
"""Pipeline reference for scband-model-26371099198079 (READ-ONLY COPY).

The authoritative reference and input builder live on the scoring server;
editing this copy changes nothing except your own understanding.
"""

import jax, jax.numpy as jnp
import numpy as np

N_NODES = 10000
N_EDGES = 320000
D_FEAT = 128


def setup_inputs(seed: int = 0) -> dict:
    key = jax.random.key(seed)
    k1, k2 = jax.random.split(key)
    x = jax.random.normal(k1, (N_NODES, D_FEAT), dtype=jnp.float32)
    edge_index = jax.random.randint(k2, (2, N_EDGES), 0, N_NODES, dtype=jnp.int32)
    return {"x": x, "edge_index": edge_index}


def reference(x, edge_index):
    # Faithful JAX translation of GCNLayer.forward (sum-reduction path of sub_reduction,
    # which is taken whenever a -1 category is present in the mailbox or neighbor count <= k).
    # Symmetric GCN normalization: norm by out-degree^-0.5 on source features, gather along
    # edges, scatter-add (segment_sum) into destination nodes, then norm by in-degree^-0.5.
    src = edge_index[0]
    dst = edge_index[1]
    # out-degree of source nodes, clamp(min=1), pow(-0.5)
    deg_out = jnp.bincount(src, length=N_NODES).astype(jnp.float32)
    norm_src = jnp.power(jnp.maximum(deg_out, 1.0), -0.5)
    feat_src = x * norm_src[:, None]
    # message passing: gather source features per edge (category_aggregation 'm' field)
    msgs = jnp.take(feat_src, src, axis=0)
    # sub_reduction sum path: scatter-add messages into destination node buckets
    agg = jax.ops.segment_sum(msgs, dst, num_segments=N_NODES)
    # in-degree normalization on destination side
    deg_in = jnp.bincount(dst, length=N_NODES).astype(jnp.float32)
    norm_dst = jnp.power(jnp.maximum(deg_in, 1.0), -0.5)
    rst = agg * norm_dst[:, None]
    return rst

if __name__ == "__main__":
    import jax
    _d = setup_inputs()
    print(jax.jit(kernel)(*tuple(_d.values())))

</pallas_src>

<mosaic_0001>
#map = affine_map<(d0, d1) -> (0, 0, 0)>
#map1 = affine_map<(d0, d1) -> (0)>
module attributes {stable_mosaic.version = 14 : i64} {
  func.func @_sc_degrees(%arg0: i32, %arg1: i32, %arg2: memref<2500x1x128xi32, #tpu.memory_space<hbm>>, %arg3: memref<2500x1x128xi32, #tpu.memory_space<hbm>>, %arg4: memref<128xf32, #tpu.memory_space<hbm>>, %arg5: memref<10000xf32, #tpu.memory_space<hbm>>, %arg6: memref<2x2x10000xf32, #tpu.memory_space<hbm>>, %arg7: memref<78x1x128xi32, #tpu.memory_space<vmem>>, %arg8: memref<78x1x128xi32, #tpu.memory_space<vmem>>, %arg9: memref<128xf32, #tpu.memory_space<vmem>>, %arg10: memref<2x10000xf32, #tpu.memory_space<vmem>>, %arg11: memref<10000xf32, #tpu.memory_space<vmem_shared>>, %arg12: memref<10000xf32, #tpu.memory_space<vmem_shared>>, %arg13: memref<!tpu.dma_semaphore, #tpu.memory_space<semaphore_mem>>) attributes {dimension_semantics = [#tpu.dimension_semantics<core_parallel>, #tpu.dimension_semantics<subcore_parallel>], iteration_bounds = array<i64: 2, 16>, scalar_prefetch = 0 : i64, scratch_operands = 7 : i64, tpu.core_type = #tpu.core_type<sc_vector_subcore>, window_params = [{transform_indices = #map}, {transform_indices = #map}, {transform_indices = #map1}, {transform_indices = #map1}, {transform_indices = #map}]} {
    %mul3A = arith.constant 2 : i32
    %mul3A_0 = arith.muli %arg1, %mul3A : i32
    %add3A = arith.addi %mul3A_0, %arg0 : i32
    %eq3A = arith.constant 0 : i32
    %eq3A_1 = arith.cmpi eq, %arg1, %eq3A : i32
    %convert_element_type3A = arith.extui %eq3A_1 : i1 to i32
    %cond3A = arith.constant 0 : i32
    %cond3A_2 = arith.cmpi ne, %convert_element_type3A, %cond3A : i32
    scf.if %cond3A_2 {
      "tpu.region"() ({
        %run_scoped3A = tpu.sem_alloc : memref<!tpu.dma_semaphore, #tpu.memory_space<semaphore_mem>>
        tpu.enqueue_dma source(%arg5 : memref<10000xf32, #tpu.memory_space<hbm>>) target(%arg11 : memref<10000xf32, #tpu.memory_space<vmem_shared>>) target_semaphore(%run_scoped3A : memref<!tpu.dma_semaphore, #tpu.memory_space<semaphore_mem>>)
        tpu.wait_dma2 semaphore(%run_scoped3A : memref<!tpu.dma_semaphore, #tpu.memory_space<semaphore_mem>>) src(%arg5 : memref<10000xf32, #tpu.memory_space<hbm>>) dst(%arg11 : memref<10000xf32, #tpu.memory_space<vmem_shared>>)
        tpu.yield
      }) : () -> ()
    } else {
    }
    %eq3A_3 = arith.constant 1 : i32
    %eq3A_4 = arith.cmpi eq, %arg1, %eq3A_3 : i32
    %convert_element_type3A_5 = arith.extui %eq3A_4 : i1 to i32
    %cond3A_6 = arith.constant 0 : i32
    %cond3A_7 = arith.cmpi ne, %convert_element_type3A_5, %cond3A_6 : i32
    scf.if %cond3A_7 {
      "tpu.region"() ({
        %run_scoped3A = tpu.sem_alloc : memref<!tpu.dma_semaphore, #tpu.memory_space<semaphore_mem>>
        tpu.enqueue_dma source(%arg5 : memref<10000xf32, #tpu.memory_space<hbm>>) target(%arg12 : memref<10000xf32, #tpu.memory_space<vmem_shared>>) target_semaphore(%run_scoped3A : memref<!tpu.dma_semaphore, #tpu.memory_space<semaphore_mem>>)
        tpu.wait_dma2 semaphore(%run_scoped3A : memref<!tpu.dma_semaphore, #tpu.memory_space<semaphore_mem>>) src(%arg5 : memref<10000xf32, #tpu.memory_space<hbm>>) dst(%arg12 : memref<10000xf32, #tpu.memory_space<vmem_shared>>)
        tpu.yield
      }) : () -> ()
    } else {
    }
    %mul3A_8 = arith.constant 78 : i32
    %mul3A_9 = arith.muli %add3A, %mul3A_8 : i32
    %dma_start3A = arith.constant 0 : i32
    %dma_start3A_10 = arith.constant 0 : i32
    %dma_start3A_11 = tpu.memref_slice %arg2[%mul3A_9, %dma_start3A, %dma_start3A_10] : memref<2500x1x128xi32, #tpu.memory_space<hbm>> -> memref<78x1x128xi32, #tpu.memory_space<hbm>>
    %dma_start3A_12 = arith.constant 0 : i32
    %dma_start3A_13 = arith.constant 0 : i32
    %dma_start3A_14 = tpu.memref_slice %arg2[%mul3A_9, %dma_start3A_12, %dma_start3A_13] : memref<2500x1x128xi32, #tpu.memory_space<hbm>> -> memref<78x1x128xi32, #tpu.memory_space<hbm>>
    tpu.enqueue_dma source(%dma_start3A_14 : memref<78x1x128xi32, #tpu.memory_space<hbm>>) target(%arg7 : memref<78x1x128xi32, #tpu.memory_space<vmem>>) target_semaphore(%arg13 : memref<!tpu.dma_semaphore, #tpu.memory_space<semaphore_mem>>)
    %mul3A_15 = arith.constant 78 : i32
    %mul3A_16 = arith.muli %add3A, %mul3A_15 : i32
    %dma_start3A_17 = arith.constant 0 : i32
    %dma_start3A_18 = arith.constant 0 : i32
    %dma_start3A_19 = tpu.memref_slice %arg3[%mul3A_16, %dma_start3A_17, %dma_start3A_18] : memref<2500x1x128xi32, #tpu.memory_space<hbm>> -> memref<78x1x128xi32, #tpu.memory_space<hbm>>
    %dma_start3A_20 = arith.constant 0 : i32
    %dma_start3A_21 = arith.constant 0 : i32
    %dma_start3A_22 = tpu.memref_slice %arg3[%mul3A_16, %dma_start3A_20, %dma_start3A_21] : memref<2500x1x128xi32, #tpu.memory_space<hbm>> -> memref<78x1x128xi32, #tpu.memory_space<hbm>>
    tpu.enqueue_dma source(%dma_start3A_22 : memref<78x1x128xi32, #tpu.memory_space<hbm>>) target(%arg8 : memref<78x1x128xi32, #tpu.memory_space<vmem>>) target_semaphore(%arg13 : memref<!tpu.dma_semaphore, #tpu.memory_space<semaphore_mem>>)
    "tpu.region"() ({
      %run_scoped3A = tpu.sem_alloc : memref<!tpu.dma_semaphore, #tpu.memory_space<semaphore_mem>>
      tpu.enqueue_dma source(%arg4 : memref<128xf32, #tpu.memory_space<hbm>>) target(%arg9 : memref<128xf32, #tpu.memory_space<vmem>>) target_semaphore(%run_scoped3A : memref<!tpu.dma_semaphore, #tpu.memory_space<semaphore_mem>>)
      tpu.wait_dma2 semaphore(%run_scoped3A : memref<!tpu.dma_semaphore, #tpu.memory_space<semaphore_mem>>) src(%arg4 : memref<128xf32, #tpu.memory_space<hbm>>) dst(%arg9 : memref<128xf32, #tpu.memory_space<vmem>>)
      tpu.yield
    }) : () -> ()
    %dma_wait3A = arith.constant 0 : i32
    %dma_wait3A_23 = arith.constant 0 : i32
    %dma_wait3A_24 = arith.constant 0 : i32
    %dma_wait3A_25 = tpu.memref_slice %arg2[%dma_wait3A, %dma_wait3A_23, %dma_wait3A_24] : memref<2500x1x128xi32, #tpu.memory_space<hbm>> -> memref<78x1x128xi32, #tpu.memory_space<hbm>>
    %dma_wait3A_26 = arith.constant 0 : i32
    %dma_wait3A_27 = arith.constant 0 : i32
    %dma_wait3A_28 = arith.constant 0 : i32
    %dma_wait3A_29 = tpu.memref_slice %arg2[%dma_wait3A_26, %dma_wait3A_27, %dma_wait3A_28] : memref<2500x1x128xi32, #tpu.memory_space<hbm>> -> memref<78x1x128xi32, #tpu.memory_space<hbm>>
    tpu.wait_dma2 semaphore(%arg13 : memref<!tpu.dma_semaphore, #tpu.memory_space<semaphore_mem>>) src(%dma_wait3A_29 : memref<78x1x128xi32, #tpu.memory_space<hbm>>) dst(%arg7 : memref<78x1x128xi32, #tpu.memory_space<vmem>>)
    %dma_wait3A_30 = arith.constant 0 : i32
    %dma_wait3A_31 = arith.constant 0 : i32
    %dma_wait3A_32 = arith.constant 0 : i32
    %dma_wait3A_33 = tpu.memref_slice %arg3[%dma_wait3A_30, %dma_wait3A_31, %dma_wait3A_32] : memref<2500x1x128xi32, #tpu.memory_space<hbm>> -> memref<78x1x128xi32, #tpu.memory_space<hbm>>
    %dma_wait3A_34 = arith.constant 0 : i32
    %dma_wait3A_35 = arith.constant 0 : i32
    %dma_wait3A_36 = arith.constant 0 : i32
    %dma_wait3A_37 = tpu.memref_slice %arg3[%dma_wait3A_34, %dma_wait3A_35, %dma_wait3A_36] : memref<2500x1x128xi32, #tpu.memory_space<hbm>> -> memref<78x1x128xi32, #tpu.memory_space<hbm>>
    tpu.wait_dma2 semaphore(%arg13 : memref<!tpu.dma_semaphore, #tpu.memory_space<semaphore_mem>>) src(%dma_wait3A_37 : memref<78x1x128xi32, #tpu.memory_space<hbm>>) dst(%arg8 : memref<78x1x128xi32, #tpu.memory_space<vmem>>)
    %barrier3A = arith.constant 0 : index
    tpu.barrier barrier_id(%barrier3A)
    %scan3A = arith.constant 0 : i32
    %scan3A_38 = arith.constant 0 : i32
    %scan3A_39 = arith.constant 0 : i32
    %scan3A_40 = arith.constant 0 : i32
    %scan3A_41 = arith.constant 78 : i32
    %scan3A_42 = arith.addi %scan3A_40, %scan3A_41 : i32
    %scan3A_43 = arith.constant 1 : i32
    scf.for %scan3A_62 = %scan3A_40 to %scan3A_42 step %scan3A_43  : i32 {
      %mul3A_63 = arith.constant 78 : i32
      %mul3A_64 = arith.muli %scan3A_38, %mul3A_63 : i32
      %add3A_65 = arith.addi %mul3A_64, %scan3A_62 : i32
      %dma_start3A_66 = arith.constant 0 : i32
      %dma_start3A_67 = arith.constant 0 : i32
      %dma_start3A_68 = tpu.memref_slice %arg7[%add3A_65, %dma_start3A_66, %dma_start3A_67] : memref<78x1x128xi32, #tpu.memory_space<vmem>> -> memref<1x1x128xi32, #tpu.memory_space<vmem>>
      %dma_start3A_69 = tpu.memref_squeeze %dma_start3A_68 : memref<1x1x128xi32, #tpu.memory_space<vmem>> -> memref<128xi32, #tpu.memory_space<vmem>>
      %dma_start3A_70 = arith.constant 0 : i32
      %dma_start3A_71 = tpu.memref_slice %arg11[%dma_start3A_70] : memref<10000xf32, #tpu.memory_space<vmem_shared>> -> memref<10000xf32, #tpu.memory_space<vmem_shared>>
      tpu.enqueue_indirect_dma source(%arg9 : memref<128xf32, #tpu.memory_space<vmem>>) target(%dma_start3A_71 : memref<10000xf32, #tpu.memory_space<vmem_shared>>) offsets(%dma_start3A_69 : memref<128xi32, #tpu.memory_space<vmem>>) semaphore(%arg13 : memref<!tpu.dma_semaphore, #tpu.memory_space<semaphore_mem>>) {add = true}
      %dma_start3A_72 = arith.constant 0 : i32
      %dma_start3A_73 = arith.constant 0 : i32
      %dma_start3A_74 = tpu.memref_slice %arg8[%add3A_65, %dma_start3A_72, %dma_start3A_73] : memref<78x1x128xi32, #tpu.memory_space<vmem>> -> memref<1x1x128xi32, #tpu.memory_space<vmem>>
      %dma_start3A_75 = tpu.memref_squeeze %dma_start3A_74 : memref<1x1x128xi32, #tpu.memory_space<vmem>> -> memref<128xi32, #tpu.memory_space<vmem>>
      %dma_start3A_76 = arith.constant 0 : i32
      %dma_start3A_77 = tpu.memref_slice %arg12[%dma_start3A_76] : memref<10000xf32, #tpu.memory_space<vmem_shared>> -> memref<10000xf32, #tpu.memory_space<vmem_shared>>
      tpu.enqueue_indirect_dma source(%arg9 : memref<128xf32, #tpu.memory_space<vmem>>) target(%dma_start3A_77 : memref<10000xf32, #tpu.memory_space<vmem_shared>>) offsets(%dma_start3A_75 : memref<128xi32, #tpu.memory_space<vmem>>) semaphore(%arg13 : memref<!tpu.dma_semaphore, #tpu.memory_space<semaphore_mem>>) {add = true}
    }
    %scan3A_44 = arith.constant 78 : i32
    %scan3A_45 = arith.constant 0 : i32
    %scan3A_46 = arith.constant 0 : i32
    %scan3A_47 = arith.constant 156 : i32
    %scan3A_48 = arith.addi %scan3A_46, %scan3A_47 : i32
    %scan3A_49 = arith.constant 1 : i32
    scf.for %scan3A_62 = %scan3A_46 to %scan3A_48 step %scan3A_49  : i32 {
      %dma_wait3A_63 = arith.constant 0 : i32
      %dma_wait3A_64 = arith.constant 0 : i32
      %dma_wait3A_65 = arith.constant 0 : i32
      %dma_wait3A_66 = tpu.memref_slice %arg7[%dma_wait3A_63, %dma_wait3A_64, %dma_wait3A_65] : memref<78x1x128xi32, #tpu.memory_space<vmem>> -> memref<1x1x128xi32, #tpu.memory_space<vmem>>
      %dma_wait3A_67 = tpu.memref_squeeze %dma_wait3A_66 : memref<1x1x128xi32, #tpu.memory_space<vmem>> -> memref<128xi32, #tpu.memory_space<vmem>>
      %dma_wait3A_68 = arith.constant 0 : i32
      %dma_wait3A_69 = tpu.memref_slice %arg11[%dma_wait3A_68] : memref<10000xf32, #tpu.memory_space<vmem_shared>> -> memref<10000xf32, #tpu.memory_space<vmem_shared>>
      tpu.wait_indirect_dma semaphore(%arg13 : memref<!tpu.dma_semaphore, #tpu.memory_space<semaphore_mem>>) src(%arg9 : memref<128xf32, #tpu.memory_space<vmem>>) dst(%dma_wait3A_69 : memref<10000xf32, #tpu.memory_space<vmem_shared>>)
    }
    %scan3A_50 = arith.constant 156 : i32
    %scan3A_51 = arith.constant 1 : i32
    %lt3A = arith.constant 4 : i32
    %lt3A_52 = arith.cmpi slt, %add3A, %lt3A : i32
    %convert_element_type3A_53 = arith.extui %lt3A_52 : i1 to i32
    %cond3A_54 = arith.constant 0 : i32
    %cond3A_55 = arith.cmpi ne, %convert_element_type3A_53, %cond3A_54 : i32
    scf.if %cond3A_55 {
      %add3A_62 = arith.constant 2496 : i32
      %add3A_63 = arith.addi %add3A_62, %add3A : i32
      "tpu.region"() ({
        %run_scoped3A_69 = tpu.sem_alloc : memref<!tpu.dma_semaphore, #tpu.memory_space<semaphore_mem>>
        %dma_start3A_70 = arith.constant 0 : i32
        %dma_start3A_71 = arith.constant 0 : i32
        %dma_start3A_72 = arith.constant 0 : i32
        %dma_start3A_73 = tpu.memref_slice %arg7[%dma_start3A_70, %dma_start3A_71, %dma_start3A_72] : memref<78x1x128xi32, #tpu.memory_space<vmem>> -> memref<1x1x128xi32, #tpu.memory_space<vmem>>
        %dma_start3A_74 = arith.constant 0 : i32
        %dma_start3A_75 = arith.constant 0 : i32
        %dma_start3A_76 = tpu.memref_slice %arg2[%add3A_63, %dma_start3A_74, %dma_start3A_75] : memref<2500x1x128xi32, #tpu.memory_space<hbm>> -> memref<1x1x128xi32, #tpu.memory_space<hbm>>
        %dma_start3A_77 = arith.constant 0 : i32
        %dma_start3A_78 = arith.constant 0 : i32
        %dma_start3A_79 = arith.constant 0 : i32
        %dma_start3A_80 = tpu.memref_slice %arg7[%dma_start3A_77, %dma_start3A_78, %dma_start3A_79] : memref<78x1x128xi32, #tpu.memory_space<vmem>> -> memref<1x1x128xi32, #tpu.memory_space<vmem>>
        %dma_start3A_81 = arith.constant 0 : i32
        %dma_start3A_82 = arith.constant 0 : i32
        %dma_start3A_83 = tpu.memref_slice %arg2[%add3A_63, %dma_start3A_81, %dma_start3A_82] : memref<2500x1x128xi32, #tpu.memory_space<hbm>> -> memref<1x1x128xi32, #tpu.memory_space<hbm>>
        tpu.enqueue_dma source(%dma_start3A_83 : memref<1x1x128xi32, #tpu.memory_space<hbm>>) target(%dma_start3A_80 : memref<1x1x128xi32, #tpu.memory_space<vmem>>) target_semaphore(%run_scoped3A_69 : memref<!tpu.dma_semaphore, #tpu.memory_space<semaphore_mem>>)
        %dma_wait3A_84 = arith.constant 0 : i32
        %dma_wait3A_85 = arith.constant 0 : i32
        %dma_wait3A_86 = arith.constant 0 : i32
        %dma_wait3A_87 = tpu.memref_slice %arg7[%dma_wait3A_84, %dma_wait3A_85, %dma_wait3A_86] : memref<78x1x128xi32, #tpu.memory_space<vmem>> -> memref<1x1x128xi32, #tpu.memory_space<vmem>>
        %dma_wait3A_88 = arith.constant 0 : i32
        %dma_wait3A_89 = arith.constant 0 : i32
        %dma_wait3A_90 = tpu.memref_slice %arg2[%add3A_63, %dma_wait3A_88, %dma_wait3A_89] : memref<2500x1x128xi32, #tpu.memory_space<hbm>> -> memref<1x1x128xi32, #tpu.memory_space<hbm>>
        %dma_wait3A_91 = arith.constant 0 : i32
        %dma_wait3A_92 = arith.constant 0 : i32
        %dma_wait3A_93 = arith.constant 0 : i32
        %dma_wait3A_94 = tpu.memref_slice %arg7[%dma_wait3A_91, %dma_wait3A_92, %dma_wait3A_93] : memref<78x1x128xi32, #tpu.memory_space<vmem>> -> memref<1x1x128xi32, #tpu.memory_space<vmem>>
        %dma_wait3A_95 = arith.constant 0 : i32
        %dma_wait3A_96 = arith.constant 0 : i32
        %dma_wait3A_97 = tpu.memref_slice %arg2[%add3A_63, %dma_wait3A_95, %dma_wait3A_96] : memref<2500x1x128xi32, #tpu.memory_space<hbm>> -> memref<1x1x128xi32, #tpu.memory_space<hbm>>
        tpu.wait_dma2 semaphore(%run_scoped3A_69 : memref<!tpu.dma_semaphore, #tpu.memory_space<semaphore_mem>>) src(%dma_wait3A_97 : memref<1x1x128xi32, #tpu.memory_space<hbm>>) dst(%dma_wait3A_94 : memref<1x1x128xi32, #tpu.memory_space<vmem>>)
        tpu.yield
      }) : () -> ()
      %add3A_64 = arith.constant 2496 : i32
      %add3A_65 = arith.addi %add3A_64, %add3A : i32
      "tpu.region"() ({
        %run_scoped3A_69 = tpu.sem_alloc : memref<!tpu.dma_semaphore, #tpu.memory_space<semaphore_mem>>
        %dma_start3A_70 = arith.constant 0 : i32
        %dma_start3A_71 = arith.constant 0 : i32
        %dma_start3A_72 = arith.constant 0 : i32
        %dma_start3A_73 = tpu.memref_slice %arg8[%dma_start3A_70, %dma_start3A_71, %dma_start3A_72] : memref<78x1x128xi32, #tpu.memory_space<vmem>> -> memref<1x1x128xi32, #tpu.memory_space<vmem>>
        %dma_start3A_74 = arith.constant 0 : i32
        %dma_start3A_75 = arith.constant 0 : i32
        %dma_start3A_76 = tpu.memref_slice %arg3[%add3A_65, %dma_start3A_74, %dma_start3A_75] : memref<2500x1x128xi32, #tpu.memory_space<hbm>> -> memref<1x1x128xi32, #tpu.memory_space<hbm>>
        %dma_start3A_77 = arith.constant 0 : i32
        %dma_start3A_78 = arith.constant 0 : i32
        %dma_start3A_79 = arith.constant 0 : i32
        %dma_start3A_80 = tpu.memref_slice %arg8[%dma_start3A_77, %dma_start3A_78, %dma_start3A_79] : memref<78x1x128xi32, #tpu.memory_space<vmem>> -> memref<1x1x128xi32, #tpu.memory_space<vmem>>
        %dma_start3A_81 = arith.constant 0 : i32
        %dma_start3A_82 = arith.constant 0 : i32
        %dma_start3A_83 = tpu.memref_slice %arg3[%add3A_65, %dma_start3A_81, %dma_start3A_82] : memref<2500x1x128xi32, #tpu.memory_space<hbm>> -> memref<1x1x128xi32, #tpu.memory_space<hbm>>
        tpu.enqueue_dma source(%dma_start3A_83 : memref<1x1x128xi32, #tpu.memory_space<hbm>>) target(%dma_start3A_80 : memref<1x1x128xi32, #tpu.memory_space<vmem>>) target_semaphore(%run_scoped3A_69 : memref<!tpu.dma_semaphore, #tpu.memory_space<semaphore_mem>>)
        %dma_wait3A_84 = arith.constant 0 : i32
        %dma_wait3A_85 = arith.constant 0 : i32
        %dma_wait3A_86 = arith.constant 0 : i32
        %dma_wait3A_87 = tpu.memref_slice %arg8[%dma_wait3A_84, %dma_wait3A_85, %dma_wait3A_86] : memref<78x1x128xi32, #tpu.memory_space<vmem>> -> memref<1x1x128xi32, #tpu.memory_space<vmem>>
        %dma_wait3A_88 = arith.constant 0 : i32
        %dma_wait3A_89 = arith.constant 0 : i32
        %dma_wait3A_90 = tpu.memref_slice %arg3[%add3A_65, %dma_wait3A_88, %dma_wait3A_89] : memref<2500x1x128xi32, #tpu.memory_space<hbm>> -> memref<1x1x128xi32, #tpu.memory_space<hbm>>
        %dma_wait3A_91 = arith.constant 0 : i32
        %dma_wait3A_92 = arith.constant 0 : i32
        %dma_wait3A_93 = arith.constant 0 : i32
        %dma_wait3A_94 = tpu.memref_slice %arg8[%dma_wait3A_91, %dma_wait3A_92, %dma_wait3A_93] : memref<78x1x128xi32, #tpu.memory_space<vmem>> -> memref<1x1x128xi32, #tpu.memory_space<vmem>>
        %dma_wait3A_95 = arith.constant 0 : i32
        %dma_wait3A_96 = arith.constant 0 : i32
        %dma_wait3A_97 = tpu.memref_slice %arg3[%add3A_65, %dma_wait3A_95, %dma_wait3A_96] : memref<2500x1x128xi32, #tpu.memory_space<hbm>> -> memref<1x1x128xi32, #tpu.memory_space<hbm>>
        tpu.wait_dma2 semaphore(%run_scoped3A_69 : memref<!tpu.dma_semaphore, #tpu.memory_space<semaphore_mem>>) src(%dma_wait3A_97 : memref<1x1x128xi32, #tpu.memory_space<hbm>>) dst(%dma_wait3A_94 : memref<1x1x128xi32, #tpu.memory_space<vmem>>)
        tpu.yield
      }) : () -> ()
      %run_scoped3A = arith.constant 0 : i32
      %run_scoped3A_66 = arith.constant 0 : i32
      "tpu.region"() ({
        %run_scoped3A_69 = tpu.sem_alloc : memref<!tpu.dma_semaphore, #tpu.memory_space<semaphore_mem>>
        %dma_start3A_70 = arith.constant 0 : i32
        %dma_start3A_71 = tpu.memref_slice %arg7[%run_scoped3A, %run_scoped3A_66, %dma_start3A_70] : memref<78x1x128xi32, #tpu.memory_space<vmem>> -> memref<1x1x128xi32, #tpu.memory_space<vmem>>
        %dma_start3A_72 = tpu.memref_squeeze %dma_start3A_71 : memref<1x1x128xi32, #tpu.memory_space<vmem>> -> memref<128xi32, #tpu.memory_space<vmem>>
        %dma_start3A_73 = arith.constant 0 : i32
        %dma_start3A_74 = tpu.memref_slice %arg11[%dma_start3A_73] : memref<10000xf32, #tpu.memory_space<vmem_shared>> -> memref<10000xf32, #tpu.memory_space<vmem_shared>>
        tpu.enqueue_indirect_dma source(%arg9 : memref<128xf32, #tpu.memory_space<vmem>>) target(%dma_start3A_74 : memref<10000xf32, #tpu.memory_space<vmem_shared>>) offsets(%dma_start3A_72 : memref<128xi32, #tpu.memory_space<vmem>>) semaphore(%run_scoped3A_69 : memref<!tpu.dma_semaphore, #tpu.memory_space<semaphore_mem>>) {add = true}
        %dma_wait3A_75 = arith.constant 0 : i32
        %dma_wait3A_76 = tpu.memref_slice %arg7[%run_scoped3A, %run_scoped3A_66, %dma_wait3A_75] : memref<78x1x128xi32, #tpu.memory_space<vmem>> -> memref<1x1x128xi32, #tpu.memory_space<vmem>>
        %dma_wait3A_77 = tpu.memref_squeeze %dma_wait3A_76 : memref<1x1x128xi32, #tpu.memory_space<vmem>> -> memref<128xi32, #tpu.memory_space<vmem>>
        %dma_wait3A_78 = arith.constant 0 : i32
        %dma_wait3A_79 = tpu.memref_slice %arg11[%dma_wait3A_78] : memref<10000xf32, #tpu.memory_space<vmem_shared>> -> memref<10000xf32, #tpu.memory_space<vmem_shared>>
        tpu.wait_indirect_dma semaphore(%run_scoped3A_69 : memref<!tpu.dma_semaphore, #tpu.memory_space<semaphore_mem>>) src(%arg9 : memref<128xf32, #tpu.memory_space<vmem>>) dst(%dma_wait3A_79 : memref<10000xf32, #tpu.memory_space<vmem_shared>>)
        tpu.yield
      }) : () -> ()
      %run_scoped3A_67 = arith.constant 0 : i32
      %run_scoped3A_68 = arith.constant 0 : i32
      "tpu.region"() ({
        %run_scoped3A_69 = tpu.sem_alloc : memref<!tpu.dma_semaphore, #tpu.memory_space<semaphore_mem>>
        %dma_start3A_70 = arith.constant 0 : i32
        %dma_start3A_71 = tpu.memref_slice %arg8[%run_scoped3A_67, %run_scoped3A_68, %dma_start3A_70] : memref<78x1x128xi32, #tpu.memory_space<vmem>> -> memref<1x1x128xi32, #tpu.memory_space<vmem>>
        %dma_start3A_72 = tpu.memref_squeeze %dma_start3A_71 : memref<1x1x128xi32, #tpu.memory_space<vmem>> -> memref<128xi32, #tpu.memory_space<vmem>>
        %dma_start3A_73 = arith.constant 0 : i32
        %dma_start3A_74 = tpu.memref_slice %arg12[%dma_start3A_73] : memref<10000xf32, #tpu.memory_space<vmem_shared>> -> memref<10000xf32, #tpu.memory_space<vmem_shared>>
        tpu.enqueue_indirect_dma source(%arg9 : memref<128xf32, #tpu.memory_space<vmem>>) target(%dma_start3A_74 : memref<10000xf32, #tpu.memory_space<vmem_shared>>) offsets(%dma_start3A_72 : memref<128xi32, #tpu.memory_space<vmem>>) semaphore(%run_scoped3A_69 : memref<!tpu.dma_semaphore, #tpu.memory_space<semaphore_mem>>) {add = true}
        %dma_wait3A_75 = arith.constant 0 : i32
        %dma_wait3A_76 = tpu.memref_slice %arg8[%run_scoped3A_67, %run_scoped3A_68, %dma_wait3A_75] : memref<78x1x128xi32, #tpu.memory_space<vmem>> -> memref<1x1x128xi32, #tpu.memory_space<vmem>>
        %dma_wait3A_77 = tpu.memref_squeeze %dma_wait3A_76 : memref<1x1x128xi32, #tpu.memory_space<vmem>> -> memref<128xi32, #tpu.memory_space<vmem>>
        %dma_wait3A_78 = arith.constant 0 : i32
        %dma_wait3A_79 = tpu.memref_slice %arg12[%dma_wait3A_78] : memref<10000xf32, #tpu.memory_space<vmem_shared>> -> memref<10000xf32, #tpu.memory_space<vmem_shared>>
        tpu.wait_indirect_dma semaphore(%run_scoped3A_69 : memref<!tpu.dma_semaphore, #tpu.memory_space<semaphore_mem>>) src(%arg9 : memref<128xf32, #tpu.memory_space<vmem>>) dst(%dma_wait3A_79 : memref<10000xf32, #tpu.memory_space<vmem_shared>>)
        tpu.yield
      }) : () -> ()
    } else {
    }
    %barrier3A_56 = arith.constant 0 : index
    tpu.barrier barrier_id(%barrier3A_56)
    %eq3A_57 = arith.constant 0 : i32
    %eq3A_58 = arith.cmpi eq, %arg1, %eq3A_57 : i32
    %convert_element_type3A_59 = arith.extui %eq3A_58 : i1 to i32
    %cond3A_60 = arith.constant 0 : i32
    %cond3A_61 = arith.cmpi ne, %convert_element_type3A_59, %cond3A_60 : i32
    scf.if %cond3A_61 {
      %run_scoped3A = arith.constant 0 : i32
      "tpu.region"() ({
        %run_scoped3A_63 = tpu.sem_alloc : memref<!tpu.dma_semaphore, #tpu.memory_space<semaphore_mem>>
        %dma_start3A_64 = arith.constant 0 : i32
        %dma_start3A_65 = tpu.memref_slice %arg10[%run_scoped3A, %dma_start3A_64] : memref<2x10000xf32, #tpu.memory_space<vmem>> -> memref<1x10000xf32, #tpu.memory_space<vmem>>
        %dma_start3A_66 = tpu.memref_squeeze %dma_start3A_65 : memref<1x10000xf32, #tpu.memory_space<vmem>> -> memref<10000xf32, #tpu.memory_space<vmem>>
        %dma_start3A_67 = arith.constant 0 : i32
        %dma_start3A_68 = tpu.memref_slice %arg10[%run_scoped3A, %dma_start3A_67] : memref<2x10000xf32, #tpu.memory_space<vmem>> -> memref<1x10000xf32, #tpu.memory_space<vmem>>
        %dma_start3A_69 = tpu.memref_squeeze %dma_start3A_68 : memref<1x10000xf32, #tpu.memory_space<vmem>> -> memref<10000xf32, #tpu.memory_space<vmem>>
        tpu.enqueue_dma source(%arg11 : memref<10000xf32, #tpu.memory_space<vmem_shared>>) target(%dma_start3A_69 : memref<10000xf32, #tpu.memory_space<vmem>>) target_semaphore(%run_scoped3A_63 : memref<!tpu.dma_semaphore, #tpu.memory_space<semaphore_mem>>)
        %dma_wait3A_70 = arith.constant 0 : i32
        %dma_wait3A_71 = tpu.memref_slice %arg10[%run_scoped3A, %dma_wait3A_70] : memref<2x10000xf32, #tpu.memory_space<vmem>> -> memref<1x10000xf32, #tpu.memory_space<vmem>>
        %dma_wait3A_72 = tpu.memref_squeeze %dma_wait3A_71 : memref<1x10000xf32, #tpu.memory_space<vmem>> -> memref<10000xf32, #tpu.memory_space<vmem>>
        %dma_wait3A_73 = arith.constant 0 : i32
        %dma_wait3A_74 = tpu.memref_slice %arg10[%run_scoped3A, %dma_wait3A_73] : memref<2x10000xf32, #tpu.memory_space<vmem>> -> memref<1x10000xf32, #tpu.memory_space<vmem>>
        %dma_wait3A_75 = tpu.memref_squeeze %dma_wait3A_74 : memref<1x10000xf32, #tpu.memory_space<vmem>> -> memref<10000xf32, #tpu.memory_space<vmem>>
        tpu.wait_dma2 semaphore(%run_scoped3A_63 : memref<!tpu.dma_semaphore, #tpu.memory_space<semaphore_mem>>) src(%arg11 : memref<10000xf32, #tpu.memory_space<vmem_shared>>) dst(%dma_wait3A_75 : memref<10000xf32, #tpu.memory_space<vmem>>)
        tpu.yield
      }) : () -> ()
      %run_scoped3A_62 = arith.constant 1 : i32
      "tpu.region"() ({
        %run_scoped3A_63 = tpu.sem_alloc : memref<!tpu.dma_semaphore, #tpu.memory_space<semaphore_mem>>
        %dma_start3A_64 = arith.constant 0 : i32
        %dma_start3A_65 = tpu.memref_slice %arg10[%run_scoped3A_62, %dma_start3A_64] : memref<2x10000xf32, #tpu.memory_space<vmem>> -> memref<1x10000xf32, #tpu.memory_space<vmem>>
        %dma_start3A_66 = tpu.memref_squeeze %dma_start3A_65 : memref<1x10000xf32, #tpu.memory_space<vmem>> -> memref<10000xf32, #tpu.memory_space<vmem>>
        %dma_start3A_67 = arith.constant 0 : i32
        %dma_start3A_68 = tpu.memref_slice %arg10[%run_scoped3A_62, %dma_start3A_67] : memref<2x10000xf32, #tpu.memory_space<vmem>> -> memref<1x10000xf32, #tpu.memory_space<vmem>>
        %dma_start3A_69 = tpu.memref_squeeze %dma_start3A_68 : memref<1x10000xf32, #tpu.memory_space<vmem>> -> memref<10000xf32, #tpu.memory_space<vmem>>
        tpu.enqueue_dma source(%arg12 : memref<10000xf32, #tpu.memory_space<vmem_shared>>) target(%dma_start3A_69 : memref<10000xf32, #tpu.memory_space<vmem>>) target_semaphore(%run_scoped3A_63 : memref<!tpu.dma_semaphore, #tpu.memory_space<semaphore_mem>>)
        %dma_wait3A_70 = arith.constant 0 : i32
        %dma_wait3A_71 = tpu.memref_slice %arg10[%run_scoped3A_62, %dma_wait3A_70] : memref<2x10000xf32, #tpu.memory_space<vmem>> -> memref<1x10000xf32, #tpu.memory_space<vmem>>
        %dma_wait3A_72 = tpu.memref_squeeze %dma_wait3A_71 : memref<1x10000xf32, #tpu.memory_space<vmem>> -> memref<10000xf32, #tpu.memory_space<vmem>>
        %dma_wait3A_73 = arith.constant 0 : i32
        %dma_wait3A_74 = tpu.memref_slice %arg10[%run_scoped3A_62, %dma_wait3A_73] : memref<2x10000xf32, #tpu.memory_space<vmem>> -> memref<1x10000xf32, #tpu.memory_space<vmem>>
        %dma_wait3A_75 = tpu.memref_squeeze %dma_wait3A_74 : memref<1x10000xf32, #tpu.memory_space<vmem>> -> memref<10000xf32, #tpu.memory_space<vmem>>
        tpu.wait_dma2 semaphore(%run_scoped3A_63 : memref<!tpu.dma_semaphore, #tpu.memory_space<semaphore_mem>>) src(%arg12 : memref<10000xf32, #tpu.memory_space<vmem_shared>>) dst(%dma_wait3A_75 : memref<10000xf32, #tpu.memory_space<vmem>>)
        tpu.yield
      }) : () -> ()
      "tpu.region"() ({
        %run_scoped3A_63 = tpu.sem_alloc : memref<!tpu.dma_semaphore, #tpu.memory_space<semaphore_mem>>
        %dma_start3A_64 = arith.constant 0 : i32
        %dma_start3A_65 = arith.constant 0 : i32
        %dma_start3A_66 = tpu.memref_slice %arg6[%arg0, %dma_start3A_64, %dma_start3A_65] : memref<2x2x10000xf32, #tpu.memory_space<hbm>> -> memref<1x2x10000xf32, #tpu.memory_space<hbm>>
        %dma_start3A_67 = tpu.memref_squeeze %dma_start3A_66 : memref<1x2x10000xf32, #tpu.memory_space<hbm>> -> memref<2x10000xf32, #tpu.memory_space<hbm>>
        %dma_start3A_68 = arith.constant 0 : i32
        %dma_start3A_69 = arith.constant 0 : i32
        %dma_start3A_70 = tpu.memref_slice %arg6[%arg0, %dma_start3A_68, %dma_start3A_69] : memref<2x2x10000xf32, #tpu.memory_space<hbm>> -> memref<1x2x10000xf32, #tpu.memory_space<hbm>>
        %dma_start3A_71 = tpu.memref_squeeze %dma_start3A_70 : memref<1x2x10000xf32, #tpu.memory_space<hbm>> -> memref<2x10000xf32, #tpu.memory_space<hbm>>
        tpu.enqueue_dma source(%arg10 : memref<2x10000xf32, #tpu.memory_space<vmem>>) target(%dma_start3A_71 : memref<2x10000xf32, #tpu.memory_space<hbm>>) target_semaphore(%run_scoped3A_63 : memref<!tpu.dma_semaphore, #tpu.memory_space<semaphore_mem>>)
        %dma_wait3A_72 = arith.constant 0 : i32
        %dma_wait3A_73 = arith.constant 0 : i32
        %dma_wait3A_74 = tpu.memref_slice %arg6[%arg0, %dma_wait3A_72, %dma_wait3A_73] : memref<2x2x10000xf32, #tpu.memory_space<hbm>> -> memref<1x2x10000xf32, #tpu.memory_space<hbm>>
        %dma_wait3A_75 = tpu.memref_squeeze %dma_wait3A_74 : memref<1x2x10000xf32, #tpu.memory_space<hbm>> -> memref<2x10000xf32, #tpu.memory_space<hbm>>
        %dma_wait3A_76 = arith.constant 0 : i32
        %dma_wait3A_77 = arith.constant 0 : i32
        %dma_wait3A_78 = tpu.memref_slice %arg6[%arg0, %dma_wait3A_76, %dma_wait3A_77] : memref<2x2x10000xf32, #tpu.memory_space<hbm>> -> memref<1x2x10000xf32, #tpu.memory_space<hbm>>
        %dma_wait3A_79 = tpu.memref_squeeze %dma_wait3A_78 : memref<1x2x10000xf32, #tpu.memory_space<hbm>> -> memref<2x10000xf32, #tpu.memory_space<hbm>>
        tpu.wait_dma2 semaphore(%run_scoped3A_63 : memref<!tpu.dma_semaphore, #tpu.memory_space<semaphore_mem>>) src(%arg10 : memref<2x10000xf32, #tpu.memory_space<vmem>>) dst(%dma_wait3A_79 : memref<2x10000xf32, #tpu.memory_space<hbm>>)
        tpu.yield
      }) : () -> ()
    } else {
    }
    return
  }
}

#map = affine_map<(d0, d1) -> (0, 0)>
#map1 = affine_map<(d0, d1) -> (0, 0, 0)>
module attributes {stable_mosaic.version = 14 : i64} {
  func.func @_sc_scatter(%arg0: i32, %arg1: i32, %arg2: memref<10000x128xf32, #tpu.memory_space<hbm>>, %arg3: memref<2500x1x128xi32, #tpu.memory_space<hbm>>, %arg4: memref<2500x1x128xi32, #tpu.memory_space<hbm>>, %arg5: memref<624x128xf32, #tpu.memory_space<hbm>>, %arg6: memref<2x10000x128xf32, #tpu.memory_space<hbm>>, %arg7: memref<4x1x128xi32, #tpu.memory_space<vmem>>, %arg8: memref<4x1x128xi32, #tpu.memory_space<vmem>>, %arg9: memref<128x128xf32, #tpu.memory_space<vmem>>, %arg10: memref<128x128xf32, #tpu.memory_space<vmem>>, %arg11: memref<10000x128xf32, #tpu.memory_space<vmem_shared>>, %arg12: memref<!tpu.dma_semaphore, #tpu.memory_space<semaphore_mem>>, %arg13: memref<!tpu.dma_semaphore, #tpu.memory_space<semaphore_mem>>, %arg14: memref<!tpu.dma_semaphore, #tpu.memory_space<semaphore_mem>>, %arg15: memref<!tpu.dma_semaphore, #tpu.memory_space<semaphore_mem>>, %arg16: memref<!tpu.dma_semaphore, #tpu.memory_space<semaphore_mem>>) attributes {dimension_semantics = [#tpu.dimension_semantics<core_parallel>, #tpu.dimension_semantics<subcore_parallel>], iteration_bounds = array<i64: 2, 16>, scalar_prefetch = 0 : i64, scratch_operands = 10 : i64, tpu.core_type = #tpu.core_type<sc_vector_subcore>, window_params = [{transform_indices = #map}, {transform_indices = #map1}, {transform_indices = #map1}, {transform_indices = #map}, {transform_indices = #map1}]} {
    %mul3A = arith.constant 2 : i32
    %mul3A_0 = arith.muli %arg1, %mul3A : i32
    %add3A = arith.addi %mul3A_0, %arg0 : i32
    %mul3A_1 = arith.constant 78 : i32
    %mul3A_2 = arith.muli %add3A, %mul3A_1 : i32
    %mul3A_3 = arith.constant 624 : i32
    %mul3A_4 = arith.muli %arg1, %mul3A_3 : i32
    %dma_start3A = arith.constant 0 : i32
    %dma_start3A_5 = tpu.memref_slice %arg11[%mul3A_4, %dma_start3A] : memref<10000x128xf32, #tpu.memory_space<vmem_shared>> -> memref<624x128xf32, #tpu.memory_space<vmem_shared>>
    tpu.enqueue_dma source(%arg5 : memref<624x128xf32, #tpu.memory_space<hbm>>) target(%dma_start3A_5 : memref<624x128xf32, #tpu.memory_space<vmem_shared>>) target_semaphore(%arg16 : memref<!tpu.dma_semaphore, #tpu.memory_space<semaphore_mem>>)
    %eq3A = arith.constant 0 : i32
    %eq3A_6 = arith.cmpi eq, %arg1, %eq3A : i32
    %convert_element_type3A = arith.extui %eq3A_6 : i1 to i32
    %cond3A = arith.constant 0 : i32
    %cond3A_7 = arith.cmpi ne, %convert_element_type3A, %cond3A : i32
    scf.if %cond3A_7 {
      "tpu.region"() ({
        %run_scoped3A = tpu.sem_alloc : memref<!tpu.dma_semaphore, #tpu.memory_space<semaphore_mem>>
        %dma_start3A_134 = arith.constant 9984 : i32
        %dma_start3A_135 = arith.constant 0 : i32
        %dma_start3A_136 = tpu.memref_slice %arg11[%dma_start3A_134, %dma_start3A_135] : memref<10000x128xf32, #tpu.memory_space<vmem_shared>> -> memref<16x128xf32, #tpu.memory_space<vmem_shared>>
        %dma_start3A_137 = arith.constant 0 : i32
        %dma_start3A_138 = arith.constant 0 : i32
        %dma_start3A_139 = tpu.memref_slice %arg5[%dma_start3A_137, %dma_start3A_138] : memref<624x128xf32, #tpu.memory_space<hbm>> -> memref<16x128xf32, #tpu.memory_space<hbm>>
        tpu.enqueue_dma source(%dma_start3A_139 : memref<16x128xf32, #tpu.memory_space<hbm>>) target(%dma_start3A_136 : memref<16x128xf32, #tpu.memory_space<vmem_shared>>) target_semaphore(%run_scoped3A : memref<!tpu.dma_semaphore, #tpu.memory_space<semaphore_mem>>)
        %dma_wait3A_140 = arith.constant 9984 : i32
        %dma_wait3A_141 = arith.constant 0 : i32
        %dma_wait3A_142 = tpu.memref_slice %arg11[%dma_wait3A_140, %dma_wait3A_141] : memref<10000x128xf32, #tpu.memory_space<vmem_shared>> -> memref<16x128xf32, #tpu.memory_space<vmem_shared>>
        %dma_wait3A_143 = arith.constant 0 : i32
        %dma_wait3A_144 = arith.constant 0 : i32
        %dma_wait3A_145 = tpu.memref_slice %arg5[%dma_wait3A_143, %dma_wait3A_144] : memref<624x128xf32, #tpu.memory_space<hbm>> -> memref<16x128xf32, #tpu.memory_space<hbm>>
        tpu.wait_dma2 semaphore(%run_scoped3A : memref<!tpu.dma_semaphore, #tpu.memory_space<semaphore_mem>>) src(%dma_wait3A_145 : memref<16x128xf32, #tpu.memory_space<hbm>>) dst(%dma_wait3A_142 : memref<16x128xf32, #tpu.memory_space<vmem_shared>>)
        tpu.yield
      }) : () -> ()
    } else {
    }
    %add3A_8 = arith.constant 0 : i32
    %add3A_9 = arith.addi %mul3A_2, %add3A_8 : i32
    %dma_start3A_10 = arith.constant 0 : i32
    %dma_start3A_11 = arith.constant 0 : i32
    %dma_start3A_12 = arith.constant 0 : i32
    %dma_start3A_13 = tpu.memref_slice %arg7[%dma_start3A_10, %dma_start3A_11, %dma_start3A_12] : memref<4x1x128xi32, #tpu.memory_space<vmem>> -> memref<1x1x128xi32, #tpu.memory_space<vmem>>
    %dma_start3A_14 = arith.constant 0 : i32
    %dma_start3A_15 = arith.constant 0 : i32
    %dma_start3A_16 = tpu.memref_slice %arg3[%add3A_9, %dma_start3A_14, %dma_start3A_15] : memref<2500x1x128xi32, #tpu.memory_space<hbm>> -> memref<1x1x128xi32, #tpu.memory_space<hbm>>
    %dma_start3A_17 = arith.constant 0 : i32
    %dma_start3A_18 = arith.constant 0 : i32
    %dma_start3A_19 = arith.constant 0 : i32
    %dma_start3A_20 = tpu.memref_slice %arg7[%dma_start3A_17, %dma_start3A_18, %dma_start3A_19] : memref<4x1x128xi32, #tpu.memory_space<vmem>> -> memref<1x1x128xi32, #tpu.memory_space<vmem>>
    %dma_start3A_21 = arith.constant 0 : i32
    %dma_start3A_22 = arith.constant 0 : i32
    %dma_start3A_23 = tpu.memref_slice %arg3[%add3A_9, %dma_start3A_21, %dma_start3A_22] : memref<2500x1x128xi32, #tpu.memory_space<hbm>> -> memref<1x1x128xi32, #tpu.memory_space<hbm>>
    tpu.enqueue_dma source(%dma_start3A_23 : memref<1x1x128xi32, #tpu.memory_space<hbm>>) target(%dma_start3A_20 : memref<1x1x128xi32, #tpu.memory_space<vmem>>) target_semaphore(%arg14 : memref<!tpu.dma_semaphore, #tpu.memory_space<semaphore_mem>>)
    %add3A_24 = arith.constant 0 : i32
    %add3A_25 = arith.addi %mul3A_2, %add3A_24 : i32
    %dma_start3A_26 = arith.constant 0 : i32
    %dma_start3A_27 = arith.constant 0 : i32
    %dma_start3A_28 = arith.constant 0 : i32
    %dma_start3A_29 = tpu.memref_slice %arg8[%dma_start3A_26, %dma_start3A_27, %dma_start3A_28] : memref<4x1x128xi32, #tpu.memory_space<vmem>> -> memref<1x1x128xi32, #tpu.memory_space<vmem>>
    %dma_start3A_30 = arith.constant 0 : i32
    %dma_start3A_31 = arith.constant 0 : i32
    %dma_start3A_32 = tpu.memref_slice %arg4[%add3A_25, %dma_start3A_30, %dma_start3A_31] : memref<2500x1x128xi32, #tpu.memory_space<hbm>> -> memref<1x1x128xi32, #tpu.memory_space<hbm>>
    %dma_start3A_33 = arith.constant 0 : i32
    %dma_start3A_34 = arith.constant 0 : i32
    %dma_start3A_35 = arith.constant 0 : i32
    %dma_start3A_36 = tpu.memref_slice %arg8[%dma_start3A_33, %dma_start3A_34, %dma_start3A_35] : memref<4x1x128xi32, #tpu.memory_space<vmem>> -> memref<1x1x128xi32, #tpu.memory_space<vmem>>
    %dma_start3A_37 = arith.constant 0 : i32
    %dma_start3A_38 = arith.constant 0 : i32
    %dma_start3A_39 = tpu.memref_slice %arg4[%add3A_25, %dma_start3A_37, %dma_start3A_38] : memref<2500x1x128xi32, #tpu.memory_space<hbm>> -> memref<1x1x128xi32, #tpu.memory_space<hbm>>
    tpu.enqueue_dma source(%dma_start3A_39 : memref<1x1x128xi32, #tpu.memory_space<hbm>>) target(%dma_start3A_36 : memref<1x1x128xi32, #tpu.memory_space<vmem>>) target_semaphore(%arg14 : memref<!tpu.dma_semaphore, #tpu.memory_space<semaphore_mem>>)
    %dma_wait3A = arith.constant 0 : i32
    %dma_wait3A_40 = arith.constant 0 : i32
    %dma_wait3A_41 = arith.constant 0 : i32
    %dma_wait3A_42 = tpu.memref_slice %arg7[%dma_wait3A, %dma_wait3A_40, %dma_wait3A_41] : memref<4x1x128xi32, #tpu.memory_space<vmem>> -> memref<1x1x128xi32, #tpu.memory_space<vmem>>
    %dma_wait3A_43 = arith.constant 0 : i32
    %dma_wait3A_44 = arith.constant 0 : i32
    %dma_wait3A_45 = arith.constant 0 : i32
    %dma_wait3A_46 = tpu.memref_slice %arg3[%dma_wait3A_43, %dma_wait3A_44, %dma_wait3A_45] : memref<2500x1x128xi32, #tpu.memory_space<hbm>> -> memref<1x1x128xi32, #tpu.memory_space<hbm>>
    %dma_wait3A_47 = arith.constant 0 : i32
    %dma_wait3A_48 = arith.constant 0 : i32
    %dma_wait3A_49 = arith.constant 0 : i32
    %dma_wait3A_50 = tpu.memref_slice %arg7[%dma_wait3A_47, %dma_wait3A_48, %dma_wait3A_49] : memref<4x1x128xi32, #tpu.memory_space<vmem>> -> memref<1x1x128xi32, #tpu.memory_space<vmem>>
    %dma_wait3A_51 = arith.constant 0 : i32
    %dma_wait3A_52 = arith.constant 0 : i32
    %dma_wait3A_53 = arith.constant 0 : i32
    %dma_wait3A_54 = tpu.memref_slice %arg3[%dma_wait3A_51, %dma_wait3A_52, %dma_wait3A_53] : memref<2500x1x128xi32, #tpu.memory_space<hbm>> -> memref<1x1x128xi32, #tpu.memory_space<hbm>>
    tpu.wait_dma2 semaphore(%arg14 : memref<!tpu.dma_semaphore, #tpu.memory_space<semaphore_mem>>) src(%dma_wait3A_54 : memref<1x1x128xi32, #tpu.memory_space<hbm>>) dst(%dma_wait3A_50 : memref<1x1x128xi32, #tpu.memory_space<vmem>>)
    %dma_wait3A_55 = arith.constant 0 : i32
    %dma_wait3A_56 = arith.constant 0 : i32
    %dma_wait3A_57 = arith.constant 0 : i32
    %dma_wait3A_58 = tpu.memref_slice %arg8[%dma_wait3A_55, %dma_wait3A_56, %dma_wait3A_57] : memref<4x1x128xi32, #tpu.memory_space<vmem>> -> memref<1x1x128xi32, #tpu.memory_space<vmem>>
    %dma_wait3A_59 = arith.constant 0 : i32
    %dma_wait3A_60 = arith.constant 0 : i32
    %dma_wait3A_61 = arith.constant 0 : i32
    %dma_wait3A_62 = tpu.memref_slice %arg4[%dma_wait3A_59, %dma_wait3A_60, %dma_wait3A_61] : memref<2500x1x128xi32, #tpu.memory_space<hbm>> -> memref<1x1x128xi32, #tpu.memory_space<hbm>>
    %dma_wait3A_63 = arith.constant 0 : i32
    %dma_wait3A_64 = arith.constant 0 : i32
    %dma_wait3A_65 = arith.constant 0 : i32
    %dma_wait3A_66 = tpu.memref_slice %arg8[%dma_wait3A_63, %dma_wait3A_64, %dma_wait3A_65] : memref<4x1x128xi32, #tpu.memory_space<vmem>> -> memref<1x1x128xi32, #tpu.memory_space<vmem>>
    %dma_wait3A_67 = arith.constant 0 : i32
    %dma_wait3A_68 = arith.constant 0 : i32
    %dma_wait3A_69 = arith.constant 0 : i32
    %dma_wait3A_70 = tpu.memref_slice %arg4[%dma_wait3A_67, %dma_wait3A_68, %dma_wait3A_69] : memref<2500x1x128xi32, #tpu.memory_space<hbm>> -> memref<1x1x128xi32, #tpu.memory_space<hbm>>
    tpu.wait_dma2 semaphore(%arg14 : memref<!tpu.dma_semaphore, #tpu.memory_space<semaphore_mem>>) src(%dma_wait3A_70 : memref<1x1x128xi32, #tpu.memory_space<hbm>>) dst(%dma_wait3A_66 : memref<1x1x128xi32, #tpu.memory_space<vmem>>)
    %dma_start3A_71 = arith.constant 0 : i32
    %dma_start3A_72 = arith.constant 0 : i32
    %dma_start3A_73 = arith.constant 0 : i32
    %dma_start3A_74 = tpu.memref_slice %arg7[%dma_start3A_71, %dma_start3A_72, %dma_start3A_73] : memref<4x1x128xi32, #tpu.memory_space<vmem>> -> memref<1x1x128xi32, #tpu.memory_space<vmem>>
    %dma_start3A_75 = tpu.memref_squeeze %dma_start3A_74 : memref<1x1x128xi32, #tpu.memory_space<vmem>> -> memref<128xi32, #tpu.memory_space<vmem>>
    %dma_start3A_76 = arith.constant 0 : i32
    %dma_start3A_77 = arith.constant 0 : i32
    %dma_start3A_78 = tpu.memref_slice %arg2[%dma_start3A_76, %dma_start3A_77] : memref<10000x128xf32, #tpu.memory_space<hbm>> -> memref<10000x128xf32, #tpu.memory_space<hbm>>
    tpu.enqueue_indirect_dma source(%dma_start3A_78 : memref<10000x128xf32, #tpu.memory_space<hbm>>) target(%arg9 : memref<128x128xf32, #tpu.memory_space<vmem>>) offsets(%dma_start3A_75 : memref<128xi32, #tpu.memory_space<vmem>>) semaphore(%arg12 : memref<!tpu.dma_semaphore, #tpu.memory_space<semaphore_mem>>)
    %add3A_79 = arith.constant 1 : i32
    %add3A_80 = arith.addi %mul3A_2, %add3A_79 : i32
    %dma_start3A_81 = arith.constant 1 : i32
    %dma_start3A_82 = arith.constant 0 : i32
    %dma_start3A_83 = arith.constant 0 : i32
    %dma_start3A_84 = tpu.memref_slice %arg7[%dma_start3A_81, %dma_start3A_82, %dma_start3A_83] : memref<4x1x128xi32, #tpu.memory_space<vmem>> -> memref<1x1x128xi32, #tpu.memory_space<vmem>>
    %dma_start3A_85 = arith.constant 0 : i32
    %dma_start3A_86 = arith.constant 0 : i32
    %dma_start3A_87 = tpu.memref_slice %arg3[%add3A_80, %dma_start3A_85, %dma_start3A_86] : memref<2500x1x128xi32, #tpu.memory_space<hbm>> -> memref<1x1x128xi32, #tpu.memory_space<hbm>>
    %dma_start3A_88 = arith.constant 1 : i32
    %dma_start3A_89 = arith.constant 0 : i32
    %dma_start3A_90 = arith.constant 0 : i32
    %dma_start3A_91 = tpu.memref_slice %arg7[%dma_start3A_88, %dma_start3A_89, %dma_start3A_90] : memref<4x1x128xi32, #tpu.memory_space<vmem>> -> memref<1x1x128xi32, #tpu.memory_space<vmem>>
    %dma_start3A_92 = arith.constant 0 : i32
    %dma_start3A_93 = arith.constant 0 : i32
    %dma_start3A_94 = tpu.memref_slice %arg3[%add3A_80, %dma_start3A_92, %dma_start3A_93] : memref<2500x1x128xi32, #tpu.memory_space<hbm>> -> memref<1x1x128xi32, #tpu.memory_space<hbm>>
    tpu.enqueue_dma source(%dma_start3A_94 : memref<1x1x128xi32, #tpu.memory_space<hbm>>) target(%dma_start3A_91 : memref<1x1x128xi32, #tpu.memory_space<vmem>>) target_semaphore(%arg15 : memref<!tpu.dma_semaphore, #tpu.memory_space<semaphore_mem>>)
    %add3A_95 = arith.constant 1 : i32
    %add3A_96 = arith.addi %mul3A_2, %add3A_95 : i32
    %dma_start3A_97 = arith.constant 1 : i32
    %dma_start3A_98 = arith.constant 0 : i32
    %dma_start3A_99 = arith.constant 0 : i32
    %dma_start3A_100 = tpu.memref_slice %arg8[%dma_start3A_97, %dma_start3A_98, %dma_start3A_99] : memref<4x1x128xi32, #tpu.memory_space<vmem>> -> memref<1x1x128xi32, #tpu.memory_space<vmem>>
    %dma_start3A_101 = arith.constant 0 : i32
    %dma_start3A_102 = arith.constant 0 : i32
    %dma_start3A_103 = tpu.memref_slice %arg4[%add3A_96, %dma_start3A_101, %dma_start3A_102] : memref<2500x1x128xi32, #tpu.memory_space<hbm>> -> memref<1x1x128xi32, #tpu.memory_space<hbm>>
    %dma_start3A_104 = arith.constant 1 : i32
    %dma_start3A_105 = arith.constant 0 : i32
    %dma_start3A_106 = arith.constant 0 : i32
    %dma_start3A_107 = tpu.memref_slice %arg8[%dma_start3A_104, %dma_start3A_105, %dma_start3A_106] : memref<4x1x128xi32, #tpu.memory_space<vmem>> -> memref<1x1x128xi32, #tpu.memory_space<vmem>>
    %dma_start3A_108 = arith.constant 0 : i32
    %dma_start3A_109 = arith.constant 0 : i32
    %dma_start3A_110 = tpu.memref_slice %arg4[%add3A_96, %dma_start3A_108, %dma_start3A_109] : memref<2500x1x128xi32, #tpu.memory_space<hbm>> -> memref<1x1x128xi32, #tpu.memory_space<hbm>>
    tpu.enqueue_dma source(%dma_start3A_110 : memref<1x1x128xi32, #tpu.memory_space<hbm>>) target(%dma_start3A_107 : memref<1x1x128xi32, #tpu.memory_space<vmem>>) target_semaphore(%arg15 : memref<!tpu.dma_semaphore, #tpu.memory_space<semaphore_mem>>)
    %mul3A_111 = arith.constant 624 : i32
    %mul3A_112 = arith.muli %arg1, %mul3A_111 : i32
    %dma_wait3A_113 = arith.constant 0 : i32
    %dma_wait3A_114 = tpu.memref_slice %arg11[%mul3A_112, %dma_wait3A_113] : memref<10000x128xf32, #tpu.memory_space<vmem_shared>> -> memref<624x128xf32, #tpu.memory_space<vmem_shared>>
    tpu.wait_dma2 semaphore(%arg16 : memref<!tpu.dma_semaphore, #tpu.memory_space<semaphore_mem>>) src(%arg5 : memref<624x128xf32, #tpu.memory_space<hbm>>) dst(%dma_wait3A_114 : memref<624x128xf32, #tpu.memory_space<vmem_shared>>)
    %barrier3A = arith.constant 0 : index
    tpu.barrier barrier_id(%barrier3A)
    %scan3A = arith.constant 0 : i32
    %scan3A_115 = arith.constant 0 : i32
    %scan3A_116 = arith.constant 39 : i32
    %scan3A_117 = arith.addi %scan3A_115, %scan3A_116 : i32
    %scan3A_118 = arith.constant 1 : i32
    scf.for %scan3A_134 = %scan3A_115 to %scan3A_117 step %scan3A_118  : i32 {
      %mul3A_135 = arith.constant 2 : i32
      %mul3A_136 = arith.muli %mul3A_135, %scan3A_134 : i32
      %add3A_137 = arith.constant 1 : i32
      %add3A_138 = arith.addi %mul3A_136, %add3A_137 : i32
      %and3A = arith.constant 3 : i32
      %and3A_139 = arith.andi %add3A_138, %and3A : i32
      %add3A_140 = arith.constant 2 : i32
      %add3A_141 = arith.addi %mul3A_136, %add3A_140 : i32
      %and3A_142 = arith.constant 3 : i32
      %and3A_143 = arith.andi %add3A_141, %and3A_142 : i32
      %add3A_144 = arith.constant 3 : i32
      %add3A_145 = arith.addi %mul3A_136, %add3A_144 : i32
      %and3A_146 = arith.constant 3 : i32
      %and3A_147 = arith.andi %add3A_145, %and3A_146 : i32
      %dma_wait3A_148 = arith.constant 0 : i32
      %dma_wait3A_149 = arith.constant 0 : i32
      %dma_wait3A_150 = arith.constant 0 : i32
      %dma_wait3A_151 = tpu.memref_slice %arg7[%dma_wait3A_148, %dma_wait3A_149, %dma_wait3A_150] : memref<4x1x128xi32, #tpu.memory_space<vmem>> -> memref<1x1x128xi32, #tpu.memory_space<vmem>>
      %dma_wait3A_152 = tpu.memref_squeeze %dma_wait3A_151 : memref<1x1x128xi32, #tpu.memory_space<vmem>> -> memref<128xi32, #tpu.memory_space<vmem>>
      %dma_wait3A_153 = arith.constant 0 : i32
      %dma_wait3A_154 = arith.constant 0 : i32
      %dma_wait3A_155 = tpu.memref_slice %arg2[%dma_wait3A_153, %dma_wait3A_154] : memref<10000x128xf32, #tpu.memory_space<hbm>> -> memref<10000x128xf32, #tpu.memory_space<hbm>>
      tpu.wait_indirect_dma semaphore(%arg12 : memref<!tpu.dma_semaphore, #tpu.memory_space<semaphore_mem>>) src(%dma_wait3A_155 : memref<10000x128xf32, #tpu.memory_space<hbm>>) dst(%arg9 : memref<128x128xf32, #tpu.memory_space<vmem>>)
      %dma_wait3A_156 = arith.constant 0 : i32
      %dma_wait3A_157 = arith.constant 0 : i32
      %dma_wait3A_158 = arith.constant 0 : i32
      %dma_wait3A_159 = tpu.memref_slice %arg7[%dma_wait3A_156, %dma_wait3A_157, %dma_wait3A_158] : memref<4x1x128xi32, #tpu.memory_space<vmem>> -> memref<1x1x128xi32, #tpu.memory_space<vmem>>
      %dma_wait3A_160 = arith.constant 0 : i32
      %dma_wait3A_161 = arith.constant 0 : i32
      %dma_wait3A_162 = arith.constant 0 : i32
      %dma_wait3A_163 = tpu.memref_slice %arg3[%dma_wait3A_160, %dma_wait3A_161, %dma_wait3A_162] : memref<2500x1x128xi32, #tpu.memory_space<hbm>> -> memref<1x1x128xi32, #tpu.memory_space<hbm>>
      %dma_wait3A_164 = arith.constant 0 : i32
      %dma_wait3A_165 = arith.constant 0 : i32
      %dma_wait3A_166 = arith.constant 0 : i32
      %dma_wait3A_167 = tpu.memref_slice %arg7[%dma_wait3A_164, %dma_wait3A_165, %dma_wait3A_166] : memref<4x1x128xi32, #tpu.memory_space<vmem>> -> memref<1x1x128xi32, #tpu.memory_space<vmem>>
      %dma_wait3A_168 = arith.constant 0 : i32
      %dma_wait3A_169 = arith.constant 0 : i32
      %dma_wait3A_170 = arith.constant 0 : i32
      %dma_wait3A_171 = tpu.memref_slice %arg3[%dma_wait3A_168, %dma_wait3A_169, %dma_wait3A_170] : memref<2500x1x128xi32, #tpu.memory_space<hbm>> -> memref<1x1x128xi32, #tpu.memory_space<hbm>>
      tpu.wait_dma2 semaphore(%arg15 : memref<!tpu.dma_semaphore, #tpu.memory_space<semaphore_mem>>) src(%dma_wait3A_171 : memref<1x1x128xi32, #tpu.memory_space<hbm>>) dst(%dma_wait3A_167 : memref<1x1x128xi32, #tpu.memory_space<vmem>>)
      %dma_wait3A_172 = arith.constant 0 : i32
      %dma_wait3A_173 = arith.constant 0 : i32
      %dma_wait3A_174 = arith.constant 0 : i32
      %dma_wait3A_175 = tpu.memref_slice %arg8[%dma_wait3A_172, %dma_wait3A_173, %dma_wait3A_174] : memref<4x1x128xi32, #tpu.memory_space<vmem>> -> memref<1x1x128xi32, #tpu.memory_space<vmem>>
      %dma_wait3A_176 = arith.constant 0 : i32
      %dma_wait3A_177 = arith.constant 0 : i32
      %dma_wait3A_178 = arith.constant 0 : i32
      %dma_wait3A_179 = tpu.memref_slice %arg4[%dma_wait3A_176, %dma_wait3A_177, %dma_wait3A_178] : memref<2500x1x128xi32, #tpu.memory_space<hbm>> -> memref<1x1x128xi32, #tpu.memory_space<hbm>>
      %dma_wait3A_180 = arith.constant 0 : i32
      %dma_wait3A_181 = arith.constant 0 : i32
      %dma_wait3A_182 = arith.constant 0 : i32
      %dma_wait3A_183 = tpu.memref_slice %arg8[%dma_wait3A_180, %dma_wait3A_181, %dma_wait3A_182] : memref<4x1x128xi32, #tpu.memory_space<vmem>> -> memref<1x1x128xi32, #tpu.memory_space<vmem>>
      %dma_wait3A_184 = arith.constant 0 : i32
      %dma_wait3A_185 = arith.constant 0 : i32
      %dma_wait3A_186 = arith.constant 0 : i32
      %dma_wait3A_187 = tpu.memref_slice %arg4[%dma_wait3A_184, %dma_wait3A_185, %dma_wait3A_186] : memref<2500x1x128xi32, #tpu.memory_space<hbm>> -> memref<1x1x128xi32, #tpu.memory_space<hbm>>
      tpu.wait_dma2 semaphore(%arg15 : memref<!tpu.dma_semaphore, #tpu.memory_space<semaphore_mem>>) src(%dma_wait3A_187 : memref<1x1x128xi32, #tpu.memory_space<hbm>>) dst(%dma_wait3A_183 : memref<1x1x128xi32, #tpu.memory_space<vmem>>)
      %dma_start3A_188 = arith.constant 0 : i32
      %dma_start3A_189 = arith.constant 0 : i32
      %dma_start3A_190 = tpu.memref_slice %arg7[%and3A_139, %dma_start3A_188, %dma_start3A_189] : memref<4x1x128xi32, #tpu.memory_space<vmem>> -> memref<1x1x128xi32, #tpu.memory_space<vmem>>
      %dma_start3A_191 = tpu.memref_squeeze %dma_start3A_190 : memref<1x1x128xi32, #tpu.memory_space<vmem>> -> memref<128xi32, #tpu.memory_space<vmem>>
      %dma_start3A_192 = arith.constant 0 : i32
      %dma_start3A_193 = arith.constant 0 : i32
      %dma_start3A_194 = tpu.memref_slice %arg2[%dma_start3A_192, %dma_start3A_193] : memref<10000x128xf32, #tpu.memory_space<hbm>> -> memref<10000x128xf32, #tpu.memory_space<hbm>>
      tpu.enqueue_indirect_dma source(%dma_start3A_194 : memref<10000x128xf32, #tpu.memory_space<hbm>>) target(%arg10 : memref<128x128xf32, #tpu.memory_space<vmem>>) offsets(%dma_start3A_191 : memref<128xi32, #tpu.memory_space<vmem>>) semaphore(%arg13 : memref<!tpu.dma_semaphore, #tpu.memory_space<semaphore_mem>>)
      %and3A_195 = arith.constant 3 : i32
      %and3A_196 = arith.andi %mul3A_136, %and3A_195 : i32
      %run_scoped3A = arith.constant 0 : i32
      "tpu.region"() ({
        %run_scoped3A_221 = tpu.sem_alloc : memref<!tpu.dma_semaphore, #tpu.memory_space<semaphore_mem>>
        %dma_start3A_222 = arith.constant 0 : i32
        %dma_start3A_223 = tpu.memref_slice %arg8[%and3A_196, %run_scoped3A, %dma_start3A_222] : memref<4x1x128xi32, #tpu.memory_space<vmem>> -> memref<1x1x128xi32, #tpu.memory_space<vmem>>
        %dma_start3A_224 = tpu.memref_squeeze %dma_start3A_223 : memref<1x1x128xi32, #tpu.memory_space<vmem>> -> memref<128xi32, #tpu.memory_space<vmem>>
        %dma_start3A_225 = arith.constant 0 : i32
        %dma_start3A_226 = arith.constant 0 : i32
        %dma_start3A_227 = tpu.memref_slice %arg11[%dma_start3A_225, %dma_start3A_226] : memref<10000x128xf32, #tpu.memory_space<vmem_shared>> -> memref<10000x128xf32, #tpu.memory_space<vmem_shared>>
        tpu.enqueue_indirect_dma source(%arg9 : memref<128x128xf32, #tpu.memory_space<vmem>>) target(%dma_start3A_227 : memref<10000x128xf32, #tpu.memory_space<vmem_shared>>) offsets(%dma_start3A_224 : memref<128xi32, #tpu.memory_space<vmem>>) semaphore(%run_scoped3A_221 : memref<!tpu.dma_semaphore, #tpu.memory_space<semaphore_mem>>) {add = true}
        %dma_wait3A_228 = arith.constant 0 : i32
        %dma_wait3A_229 = tpu.memref_slice %arg8[%and3A_196, %run_scoped3A, %dma_wait3A_228] : memref<4x1x128xi32, #tpu.memory_space<vmem>> -> memref<1x1x128xi32, #tpu.memory_space<vmem>>
        %dma_wait3A_230 = tpu.memref_squeeze %dma_wait3A_229 : memref<1x1x128xi32, #tpu.memory_space<vmem>> -> memref<128xi32, #tpu.memory_space<vmem>>
        %dma_wait3A_231 = arith.constant 0 : i32
        %dma_wait3A_232 = arith.constant 0 : i32
        %dma_wait3A_233 = tpu.memref_slice %arg11[%dma_wait3A_231, %dma_wait3A_232] : memref<10000x128xf32, #tpu.memory_space<vmem_shared>> -> memref<10000x128xf32, #tpu.memory_space<vmem_shared>>
        tpu.wait_indirect_dma semaphore(%run_scoped3A_221 : memref<!tpu.dma_semaphore, #tpu.memory_space<semaphore_mem>>) src(%arg9 : memref<128x128xf32, #tpu.memory_space<vmem>>) dst(%dma_wait3A_233 : memref<10000x128xf32, #tpu.memory_space<vmem_shared>>)
        tpu.yield
      }) : () -> ()
      %lt3A_197 = arith.constant 38 : i32
      %lt3A_198 = arith.cmpi slt, %scan3A_134, %lt3A_197 : i32
      %convert_element_type3A_199 = arith.extui %lt3A_198 : i1 to i32
      %cond3A_200 = arith.constant 0 : i32
      %cond3A_201 = arith.cmpi ne, %convert_element_type3A_199, %cond3A_200 : i32
      scf.if %cond3A_201 {
        %add3A_221 = arith.constant 2 : i32
        %add3A_222 = arith.addi %mul3A_136, %add3A_221 : i32
        %add3A_223 = arith.addi %mul3A_2, %add3A_222 : i32
        %dma_start3A_224 = arith.constant 0 : i32
        %dma_start3A_225 = arith.constant 0 : i32
        %dma_start3A_226 = tpu.memref_slice %arg7[%and3A_143, %dma_start3A_224, %dma_start3A_225] : memref<4x1x128xi32, #tpu.memory_space<vmem>> -> memref<1x1x128xi32, #tpu.memory_space<vmem>>
        %dma_start3A_227 = arith.constant 0 : i32
        %dma_start3A_228 = arith.constant 0 : i32
        %dma_start3A_229 = tpu.memref_slice %arg3[%add3A_223, %dma_start3A_227, %dma_start3A_228] : memref<2500x1x128xi32, #tpu.memory_space<hbm>> -> memref<1x1x128xi32, #tpu.memory_space<hbm>>
        %dma_start3A_230 = arith.constant 0 : i32
        %dma_start3A_231 = arith.constant 0 : i32
        %dma_start3A_232 = tpu.memref_slice %arg7[%and3A_143, %dma_start3A_230, %dma_start3A_231] : memref<4x1x128xi32, #tpu.memory_space<vmem>> -> memref<1x1x128xi32, #tpu.memory_space<vmem>>
        %dma_start3A_233 = arith.constant 0 : i32
        %dma_start3A_234 = arith.constant 0 : i32
        %dma_start3A_235 = tpu.memref_slice %arg3[%add3A_223, %dma_start3A_233, %dma_start3A_234] : memref<2500x1x128xi32, #tpu.memory_space<hbm>> -> memref<1x1x128xi32, #tpu.memory_space<hbm>>
        tpu.enqueue_dma source(%dma_start3A_235 : memref<1x1x128xi32, #tpu.memory_space<hbm>>) target(%dma_start3A_232 : memref<1x1x128xi32, #tpu.memory_space<vmem>>) target_semaphore(%arg14 : memref<!tpu.dma_semaphore, #tpu.memory_space<semaphore_mem>>)
        %add3A_236 = arith.addi %mul3A_2, %add3A_222 : i32
        %dma_start3A_237 = arith.constant 0 : i32
        %dma_start3A_238 = arith.constant 0 : i32
        %dma_start3A_239 = tpu.memref_slice %arg8[%and3A_143, %dma_start3A_237, %dma_start3A_238] : memref<4x1x128xi32, #tpu.memory_space<vmem>> -> memref<1x1x128xi32, #tpu.memory_space<vmem>>
        %dma_start3A_240 = arith.constant 0 : i32
        %dma_start3A_241 = arith.constant 0 : i32
        %dma_start3A_242 = tpu.memref_slice %arg4[%add3A_236, %dma_start3A_240, %dma_start3A_241] : memref<2500x1x128xi32, #tpu.memory_space<hbm>> -> memref<1x1x128xi32, #tpu.memory_space<hbm>>
        %dma_start3A_243 = arith.constant 0 : i32
        %dma_start3A_244 = arith.constant 0 : i32
        %dma_start3A_245 = tpu.memref_slice %arg8[%and3A_143, %dma_start3A_243, %dma_start3A_244] : memref<4x1x128xi32, #tpu.memory_space<vmem>> -> memref<1x1x128xi32, #tpu.memory_space<vmem>>
        %dma_start3A_246 = arith.constant 0 : i32
        %dma_start3A_247 = arith.constant 0 : i32
        %dma_start3A_248 = tpu.memref_slice %arg4[%add3A_236, %dma_start3A_246, %dma_start3A_247] : memref<2500x1x128xi32, #tpu.memory_space<hbm>> -> memref<1x1x128xi32, #tpu.memory_space<hbm>>
        tpu.enqueue_dma source(%dma_start3A_248 : memref<1x1x128xi32, #tpu.memory_space<hbm>>) target(%dma_start3A_245 : memref<1x1x128xi32, #tpu.memory_space<vmem>>) target_semaphore(%arg14 : memref<!tpu.dma_semaphore, #tpu.memory_space<semaphore_mem>>)
      } else {
      }
      %dma_wait3A_202 = arith.constant 0 : i32
      %dma_wait3A_203 = arith.constant 0 : i32
      %dma_wait3A_204 = arith.constant 0 : i32
      %dma_wait3A_205 = tpu.memref_slice %arg7[%dma_wait3A_202, %dma_wait3A_203, %dma_wait3A_204] : memref<4x1x128xi32, #tpu.memory_space<vmem>> -> memref<1x1x128xi32, #tpu.memory_space<vmem>>
      %dma_wait3A_206 = tpu.memref_squeeze %dma_wait3A_205 : memref<1x1x128xi32, #tpu.memory_space<vmem>> -> memref<128xi32, #tpu.memory_space<vmem>>
      %dma_wait3A_207 = arith.constant 0 : i32
      %dma_wait3A_208 = arith.constant 0 : i32
      %dma_wait3A_209 = tpu.memref_slice %arg2[%dma_wait3A_207, %dma_wait3A_208] : memref<10000x128xf32, #tpu.memory_space<hbm>> -> memref<10000x128xf32, #tpu.memory_space<hbm>>
      tpu.wait_indirect_dma semaphore(%arg13 : memref<!tpu.dma_semaphore, #tpu.memory_space<semaphore_mem>>) src(%dma_wait3A_209 : memref<10000x128xf32, #tpu.memory_space<hbm>>) dst(%arg10 : memref<128x128xf32, #tpu.memory_space<vmem>>)
      %lt3A_210 = arith.constant 38 : i32
      %lt3A_211 = arith.cmpi slt, %scan3A_134, %lt3A_210 : i32
      %convert_element_type3A_212 = arith.extui %lt3A_211 : i1 to i32
      %cond3A_213 = arith.constant 0 : i32
      %cond3A_214 = arith.cmpi ne, %convert_element_type3A_212, %cond3A_213 : i32
      scf.if %cond3A_214 {
        %dma_wait3A_221 = arith.constant 0 : i32
        %dma_wait3A_222 = arith.constant 0 : i32
        %dma_wait3A_223 = arith.constant 0 : i32
        %dma_wait3A_224 = tpu.memref_slice %arg7[%dma_wait3A_221, %dma_wait3A_222, %dma_wait3A_223] : memref<4x1x128xi32, #tpu.memory_space<vmem>> -> memref<1x1x128xi32, #tpu.memory_space<vmem>>
        %dma_wait3A_225 = arith.constant 0 : i32
        %dma_wait3A_226 = arith.constant 0 : i32
        %dma_wait3A_227 = arith.constant 0 : i32
        %dma_wait3A_228 = tpu.memref_slice %arg3[%dma_wait3A_225, %dma_wait3A_226, %dma_wait3A_227] : memref<2500x1x128xi32, #tpu.memory_space<hbm>> -> memref<1x1x128xi32, #tpu.memory_space<hbm>>
        %dma_wait3A_229 = arith.constant 0 : i32
        %dma_wait3A_230 = arith.constant 0 : i32
        %dma_wait3A_231 = arith.constant 0 : i32
        %dma_wait3A_232 = tpu.memref_slice %arg7[%dma_wait3A_229, %dma_wait3A_230, %dma_wait3A_231] : memref<4x1x128xi32, #tpu.memory_space<vmem>> -> memref<1x1x128xi32, #tpu.memory_space<vmem>>
        %dma_wait3A_233 = arith.constant 0 : i32
        %dma_wait3A_234 = arith.constant 0 : i32
        %dma_wait3A_235 = arith.constant 0 : i32
        %dma_wait3A_236 = tpu.memref_slice %arg3[%dma_wait3A_233, %dma_wait3A_234, %dma_wait3A_235] : memref<2500x1x128xi32, #tpu.memory_space<hbm>> -> memref<1x1x128xi32, #tpu.memory_space<hbm>>
        tpu.wait_dma2 semaphore(%arg14 : memref<!tpu.dma_semaphore, #tpu.memory_space<semaphore_mem>>) src(%dma_wait3A_236 : memref<1x1x128xi32, #tpu.memory_space<hbm>>) dst(%dma_wait3A_232 : memref<1x1x128xi32, #tpu.memory_space<vmem>>)
        %dma_wait3A_237 = arith.constant 0 : i32
        %dma_wait3A_238 = arith.constant 0 : i32
        %dma_wait3A_239 = arith.constant 0 : i32
        %dma_wait3A_240 = tpu.memref_slice %arg8[%dma_wait3A_237, %dma_wait3A_238, %dma_wait3A_239] : memref<4x1x128xi32, #tpu.memory_space<vmem>> -> memref<1x1x128xi32, #tpu.memory_space<vmem>>
        %dma_wait3A_241 = arith.constant 0 : i32
        %dma_wait3A_242 = arith.constant 0 : i32
        %dma_wait3A_243 = arith.constant 0 : i32
        %dma_wait3A_244 = tpu.memref_slice %arg4[%dma_wait3A_241, %dma_wait3A_242, %dma_wait3A_243] : memref<2500x1x128xi32, #tpu.memory_space<hbm>> -> memref<1x1x128xi32, #tpu.memory_space<hbm>>
        %dma_wait3A_245 = arith.constant 0 : i32
        %dma_wait3A_246 = arith.constant 0 : i32
        %dma_wait3A_247 = arith.constant 0 : i32
        %dma_wait3A_248 = tpu.memref_slice %arg8[%dma_wait3A_245, %dma_wait3A_246, %dma_wait3A_247] : memref<4x1x128xi32, #tpu.memory_space<vmem>> -> memref<1x1x128xi32, #tpu.memory_space<vmem>>
        %dma_wait3A_249 = arith.constant 0 : i32
        %dma_wait3A_250 = arith.constant 0 : i32
        %dma_wait3A_251 = arith.constant 0 : i32
        %dma_wait3A_252 = tpu.memref_slice %arg4[%dma_wait3A_249, %dma_wait3A_250, %dma_wait3A_251] : memref<2500x1x128xi32, #tpu.memory_space<hbm>> -> memref<1x1x128xi32, #tpu.memory_space<hbm>>
        tpu.wait_dma2 semaphore(%arg14 : memref<!tpu.dma_semaphore, #tpu.memory_space<semaphore_mem>>) src(%dma_wait3A_252 : memref<1x1x128xi32, #tpu.memory_space<hbm>>) dst(%dma_wait3A_248 : memref<1x1x128xi32, #tpu.memory_space<vmem>>)
        %dma_start3A_253 = arith.constant 0 : i32
        %dma_start3A_254 = arith.constant 0 : i32
        %dma_start3A_255 = tpu.memref_slice %arg7[%and3A_143, %dma_start3A_253, %dma_start3A_254] : memref<4x1x128xi32, #tpu.memory_space<vmem>> -> memref<1x1x128xi32, #tpu.memory_space<vmem>>
        %dma_start3A_256 = tpu.memref_squeeze %dma_start3A_255 : memref<1x1x128xi32, #tpu.memory_space<vmem>> -> memref<128xi32, #tpu.memory_space<vmem>>
        %dma_start3A_257 = arith.constant 0 : i32
        %dma_start3A_258 = arith.constant 0 : i32
        %dma_start3A_259 = tpu.memref_slice %arg2[%dma_start3A_257, %dma_start3A_258] : memref<10000x128xf32, #tpu.memory_space<hbm>> -> memref<10000x128xf32, #tpu.memory_space<hbm>>
        tpu.enqueue_indirect_dma source(%dma_start3A_259 : memref<10000x128xf32, #tpu.memory_space<hbm>>) target(%arg9 : memref<128x128xf32, #tpu.memory_space<vmem>>) offsets(%dma_start3A_256 : memref<128xi32, #tpu.memory_space<vmem>>) semaphore(%arg12 : memref<!tpu.dma_semaphore, #tpu.memory_space<semaphore_mem>>)
      } else {
      }
      %run_scoped3A_215 = arith.constant 0 : i32
      "tpu.region"() ({
        %run_scoped3A_221 = tpu.sem_alloc : memref<!tpu.dma_semaphore, #tpu.memory_space<semaphore_mem>>
        %dma_start3A_222 = arith.constant 0 : i32
        %dma_start3A_223 = tpu.memref_slice %arg8[%and3A_139, %run_scoped3A_215, %dma_start3A_222] : memref<4x1x128xi32, #tpu.memory_space<vmem>> -> memref<1x1x128xi32, #tpu.memory_space<vmem>>
        %dma_start3A_224 = tpu.memref_squeeze %dma_start3A_223 : memref<1x1x128xi32, #tpu.memory_space<vmem>> -> memref<128xi32, #tpu.memory_space<vmem>>
        %dma_start3A_225 = arith.constant 0 : i32
        %dma_start3A_226 = arith.constant 0 : i32
        %dma_start3A_227 = tpu.memref_slice %arg11[%dma_start3A_225, %dma_start3A_226] : memref<10000x128xf32, #tpu.memory_space<vmem_shared>> -> memref<10000x128xf32, #tpu.memory_space<vmem_shared>>
        tpu.enqueue_indirect_dma source(%arg10 : memref<128x128xf32, #tpu.memory_space<vmem>>) target(%dma_start3A_227 : memref<10000x128xf32, #tpu.memory_space<vmem_shared>>) offsets(%dma_start3A_224 : memref<128xi32, #tpu.memory_space<vmem>>) semaphore(%run_scoped3A_221 : memref<!tpu.dma_semaphore, #tpu.memory_space<semaphore_mem>>) {add = true}
        %dma_wait3A_228 = arith.constant 0 : i32
        %dma_wait3A_229 = tpu.memref_slice %arg8[%and3A_139, %run_scoped3A_215, %dma_wait3A_228] : memref<4x1x128xi32, #tpu.memory_space<vmem>> -> memref<1x1x128xi32, #tpu.memory_space<vmem>>
        %dma_wait3A_230 = tpu.memref_squeeze %dma_wait3A_229 : memref<1x1x128xi32, #tpu.memory_space<vmem>> -> memref<128xi32, #tpu.memory_space<vmem>>
        %dma_wait3A_231 = arith.constant 0 : i32
        %dma_wait3A_232 = arith.constant 0 : i32
        %dma_wait3A_233 = tpu.memref_slice %arg11[%dma_wait3A_231, %dma_wait3A_232] : memref<10000x128xf32, #tpu.memory_space<vmem_shared>> -> memref<10000x128xf32, #tpu.memory_space<vmem_shared>>
        tpu.wait_indirect_dma semaphore(%run_scoped3A_221 : memref<!tpu.dma_semaphore, #tpu.memory_space<semaphore_mem>>) src(%arg10 : memref<128x128xf32, #tpu.memory_space<vmem>>) dst(%dma_wait3A_233 : memref<10000x128xf32, #tpu.memory_space<vmem_shared>>)
        tpu.yield
      }) : () -> ()
      %lt3A_216 = arith.constant 38 : i32
      %lt3A_217 = arith.cmpi slt, %scan3A_134, %lt3A_216 : i32
      %convert_element_type3A_218 = arith.extui %lt3A_217 : i1 to i32
      %cond3A_219 = arith.constant 0 : i32
      %cond3A_220 = arith.cmpi ne, %convert_element_type3A_218, %cond3A_219 : i32
      scf.if %cond3A_220 {
        %add3A_221 = arith.constant 3 : i32
        %add3A_222 = arith.addi %mul3A_136, %add3A_221 : i32
        %add3A_223 = arith.addi %mul3A_2, %add3A_222 : i32
        %dma_start3A_224 = arith.constant 0 : i32
        %dma_start3A_225 = arith.constant 0 : i32
        %dma_start3A_226 = tpu.memref_slice %arg7[%and3A_147, %dma_start3A_224, %dma_start3A_225] : memref<4x1x128xi32, #tpu.memory_space<vmem>> -> memref<1x1x128xi32, #tpu.memory_space<vmem>>
        %dma_start3A_227 = arith.constant 0 : i32
        %dma_start3A_228 = arith.constant 0 : i32
        %dma_start3A_229 = tpu.memref_slice %arg3[%add3A_223, %dma_start3A_227, %dma_start3A_228] : memref<2500x1x128xi32, #tpu.memory_space<hbm>> -> memref<1x1x128xi32, #tpu.memory_space<hbm>>
        %dma_start3A_230 = arith.constant 0 : i32
        %dma_start3A_231 = arith.constant 0 : i32
        %dma_start3A_232 = tpu.memref_slice %arg7[%and3A_147, %dma_start3A_230, %dma_start3A_231] : memref<4x1x128xi32, #tpu.memory_space<vmem>> -> memref<1x1x128xi32, #tpu.memory_space<vmem>>
        %dma_start3A_233 = arith.constant 0 : i32
        %dma_start3A_234 = arith.constant 0 : i32
        %dma_start3A_235 = tpu.memref_slice %arg3[%add3A_223, %dma_start3A_233, %dma_start3A_234] : memref<2500x1x128xi32, #tpu.memory_space<hbm>> -> memref<1x1x128xi32, #tpu.memory_space<hbm>>
        tpu.enqueue_dma source(%dma_start3A_235 : memref<1x1x128xi32, #tpu.memory_space<hbm>>) target(%dma_start3A_232 : memref<1x1x128xi32, #tpu.memory_space<vmem>>) target_semaphore(%arg15 : memref<!tpu.dma_semaphore, #tpu.memory_space<semaphore_mem>>)
        %add3A_236 = arith.addi %mul3A_2, %add3A_222 : i32
        %dma_start3A_237 = arith.constant 0 : i32
        %dma_start3A_238 = arith.constant 0 : i32
        %dma_start3A_239 = tpu.memref_slice %arg8[%and3A_147, %dma_start3A_237, %dma_start3A_238] : memref<4x1x128xi32, #tpu.memory_space<vmem>> -> memref<1x1x128xi32, #tpu.memory_space<vmem>>
        %dma_start3A_240 = arith.constant 0 : i32
        %dma_start3A_241 = arith.constant 0 : i32
        %dma_start3A_242 = tpu.memref_slice %arg4[%add3A_236, %dma_start3A_240, %dma_start3A_241] : memref<2500x1x128xi32, #tpu.memory_space<hbm>> -> memref<1x1x128xi32, #tpu.memory_space<hbm>>
        %dma_start3A_243 = arith.constant 0 : i32
        %dma_start3A_244 = arith.constant 0 : i32
        %dma_start3A_245 = tpu.memref_slice %arg8[%and3A_147, %dma_start3A_243, %dma_start3A_244] : memref<4x1x128xi32, #tpu.memory_space<vmem>> -> memref<1x1x128xi32, #tpu.memory_space<vmem>>
        %dma_start3A_246 = arith.constant 0 : i32
        %dma_start3A_247 = arith.constant 0 : i32
        %dma_start3A_248 = tpu.memref_slice %arg4[%add3A_236, %dma_start3A_246, %dma_start3A_247] : memref<2500x1x128xi32, #tpu.memory_space<hbm>> -> memref<1x1x128xi32, #tpu.memory_space<hbm>>
        tpu.enqueue_dma source(%dma_start3A_248 : memref<1x1x128xi32, #tpu.memory_space<hbm>>) target(%dma_start3A_245 : memref<1x1x128xi32, #tpu.memory_space<vmem>>) target_semaphore(%arg15 : memref<!tpu.dma_semaphore, #tpu.memory_space<semaphore_mem>>)
      } else {
      }
    }
    %scan3A_119 = arith.constant 39 : i32
    %lt3A = arith.constant 4 : i32
    %lt3A_120 = arith.cmpi slt, %add3A, %lt3A : i32
    %convert_element_type3A_121 = arith.extui %lt3A_120 : i1 to i32
    %cond3A_122 = arith.constant 0 : i32
    %cond3A_123 = arith.cmpi ne, %convert_element_type3A_121, %cond3A_122 : i32
    scf.if %cond3A_123 {
      %add3A_134 = arith.constant 2496 : i32
      %add3A_135 = arith.addi %add3A_134, %add3A : i32
      %dma_start3A_136 = arith.constant 0 : i32
      %dma_start3A_137 = arith.constant 0 : i32
      %dma_start3A_138 = arith.constant 0 : i32
      %dma_start3A_139 = tpu.memref_slice %arg7[%dma_start3A_136, %dma_start3A_137, %dma_start3A_138] : memref<4x1x128xi32, #tpu.memory_space<vmem>> -> memref<1x1x128xi32, #tpu.memory_space<vmem>>
      %dma_start3A_140 = arith.constant 0 : i32
      %dma_start3A_141 = arith.constant 0 : i32
      %dma_start3A_142 = tpu.memref_slice %arg3[%add3A_135, %dma_start3A_140, %dma_start3A_141] : memref<2500x1x128xi32, #tpu.memory_space<hbm>> -> memref<1x1x128xi32, #tpu.memory_space<hbm>>
      %dma_start3A_143 = arith.constant 0 : i32
      %dma_start3A_144 = arith.constant 0 : i32
      %dma_start3A_145 = arith.constant 0 : i32
      %dma_start3A_146 = tpu.memref_slice %arg7[%dma_start3A_143, %dma_start3A_144, %dma_start3A_145] : memref<4x1x128xi32, #tpu.memory_space<vmem>> -> memref<1x1x128xi32, #tpu.memory_space<vmem>>
      %dma_start3A_147 = arith.constant 0 : i32
      %dma_start3A_148 = arith.constant 0 : i32
      %dma_start3A_149 = tpu.memref_slice %arg3[%add3A_135, %dma_start3A_147, %dma_start3A_148] : memref<2500x1x128xi32, #tpu.memory_space<hbm>> -> memref<1x1x128xi32, #tpu.memory_space<hbm>>
      tpu.enqueue_dma source(%dma_start3A_149 : memref<1x1x128xi32, #tpu.memory_space<hbm>>) target(%dma_start3A_146 : memref<1x1x128xi32, #tpu.memory_space<vmem>>) target_semaphore(%arg14 : memref<!tpu.dma_semaphore, #tpu.memory_space<semaphore_mem>>)
      %add3A_150 = arith.constant 2496 : i32
      %add3A_151 = arith.addi %add3A_150, %add3A : i32
      %dma_start3A_152 = arith.constant 0 : i32
      %dma_start3A_153 = arith.constant 0 : i32
      %dma_start3A_154 = arith.constant 0 : i32
      %dma_start3A_155 = tpu.memref_slice %arg8[%dma_start3A_152, %dma_start3A_153, %dma_start3A_154] : memref<4x1x128xi32, #tpu.memory_space<vmem>> -> memref<1x1x128xi32, #tpu.memory_space<vmem>>
      %dma_start3A_156 = arith.constant 0 : i32
      %dma_start3A_157 = arith.constant 0 : i32
      %dma_start3A_158 = tpu.memref_slice %arg4[%add3A_151, %dma_start3A_156, %dma_start3A_157] : memref<2500x1x128xi32, #tpu.memory_space<hbm>> -> memref<1x1x128xi32, #tpu.memory_space<hbm>>
      %dma_start3A_159 = arith.constant 0 : i32
      %dma_start3A_160 = arith.constant 0 : i32
      %dma_start3A_161 = arith.constant 0 : i32
      %dma_start3A_162 = tpu.memref_slice %arg8[%dma_start3A_159, %dma_start3A_160, %dma_start3A_161] : memref<4x1x128xi32, #tpu.memory_space<vmem>> -> memref<1x1x128xi32, #tpu.memory_space<vmem>>
      %dma_start3A_163 = arith.constant 0 : i32
      %dma_start3A_164 = arith.constant 0 : i32
      %dma_start3A_165 = tpu.memref_slice %arg4[%add3A_151, %dma_start3A_163, %dma_start3A_164] : memref<2500x1x128xi32, #tpu.memory_space<hbm>> -> memref<1x1x128xi32, #tpu.memory_space<hbm>>
      tpu.enqueue_dma source(%dma_start3A_165 : memref<1x1x128xi32, #tpu.memory_space<hbm>>) target(%dma_start3A_162 : memref<1x1x128xi32, #tpu.memory_space<vmem>>) target_semaphore(%arg14 : memref<!tpu.dma_semaphore, #tpu.memory_space<semaphore_mem>>)
      %dma_wait3A_166 = arith.constant 0 : i32
      %dma_wait3A_167 = arith.constant 0 : i32
      %dma_wait3A_168 = arith.constant 0 : i32
      %dma_wait3A_169 = tpu.memref_slice %arg7[%dma_wait3A_166, %dma_wait3A_167, %dma_wait3A_168] : memref<4x1x128xi32, #tpu.memory_space<vmem>> -> memref<1x1x128xi32, #tpu.memory_space<vmem>>
      %dma_wait3A_170 = arith.constant 0 : i32
      %dma_wait3A_171 = arith.constant 0 : i32
      %dma_wait3A_172 = arith.constant 0 : i32
      %dma_wait3A_173 = tpu.memref_slice %arg3[%dma_wait3A_170, %dma_wait3A_171, %dma_wait3A_172] : memref<2500x1x128xi32, #tpu.memory_space<hbm>> -> memref<1x1x128xi32, #tpu.memory_space<hbm>>
      %dma_wait3A_174 = arith.constant 0 : i32
      %dma_wait3A_175 = arith.constant 0 : i32
      %dma_wait3A_176 = arith.constant 0 : i32
      %dma_wait3A_177 = tpu.memref_slice %arg7[%dma_wait3A_174, %dma_wait3A_175, %dma_wait3A_176] : memref<4x1x128xi32, #tpu.memory_space<vmem>> -> memref<1x1x128xi32, #tpu.memory_space<vmem>>
      %dma_wait3A_178 = arith.constant 0 : i32
      %dma_wait3A_179 = arith.constant 0 : i32
      %dma_wait3A_180 = arith.constant 0 : i32
      %dma_wait3A_181 = tpu.memref_slice %arg3[%dma_wait3A_178, %dma_wait3A_179, %dma_wait3A_180] : memref<2500x1x128xi32, #tpu.memory_space<hbm>> -> memref<1x1x128xi32, #tpu.memory_space<hbm>>
      tpu.wait_dma2 semaphore(%arg14 : memref<!tpu.dma_semaphore, #tpu.memory_space<semaphore_mem>>) src(%dma_wait3A_181 : memref<1x1x128xi32, #tpu.memory_space<hbm>>) dst(%dma_wait3A_177 : memref<1x1x128xi32, #tpu.memory_space<vmem>>)
      %dma_wait3A_182 = arith.constant 0 : i32
      %dma_wait3A_183 = arith.constant 0 : i32
      %dma_wait3A_184 = arith.constant 0 : i32
      %dma_wait3A_185 = tpu.memref_slice %arg8[%dma_wait3A_182, %dma_wait3A_183, %dma_wait3A_184] : memref<4x1x128xi32, #tpu.memory_space<vmem>> -> memref<1x1x128xi32, #tpu.memory_space<vmem>>
      %dma_wait3A_186 = arith.constant 0 : i32
      %dma_wait3A_187 = arith.constant 0 : i32
      %dma_wait3A_188 = arith.constant 0 : i32
      %dma_wait3A_189 = tpu.memref_slice %arg4[%dma_wait3A_186, %dma_wait3A_187, %dma_wait3A_188] : memref<2500x1x128xi32, #tpu.memory_space<hbm>> -> memref<1x1x128xi32, #tpu.memory_space<hbm>>
      %dma_wait3A_190 = arith.constant 0 : i32
      %dma_wait3A_191 = arith.constant 0 : i32
      %dma_wait3A_192 = arith.constant 0 : i32
      %dma_wait3A_193 = tpu.memref_slice %arg8[%dma_wait3A_190, %dma_wait3A_191, %dma_wait3A_192] : memref<4x1x128xi32, #tpu.memory_space<vmem>> -> memref<1x1x128xi32, #tpu.memory_space<vmem>>
      %dma_wait3A_194 = arith.constant 0 : i32
      %dma_wait3A_195 = arith.constant 0 : i32
      %dma_wait3A_196 = arith.constant 0 : i32
      %dma_wait3A_197 = tpu.memref_slice %arg4[%dma_wait3A_194, %dma_wait3A_195, %dma_wait3A_196] : memref<2500x1x128xi32, #tpu.memory_space<hbm>> -> memref<1x1x128xi32, #tpu.memory_space<hbm>>
      tpu.wait_dma2 semaphore(%arg14 : memref<!tpu.dma_semaphore, #tpu.memory_space<semaphore_mem>>) src(%dma_wait3A_197 : memref<1x1x128xi32, #tpu.memory_space<hbm>>) dst(%dma_wait3A_193 : memref<1x1x128xi32, #tpu.memory_space<vmem>>)
      %dma_start3A_198 = arith.constant 0 : i32
      %dma_start3A_199 = arith.constant 0 : i32
      %dma_start3A_200 = arith.constant 0 : i32
      %dma_start3A_201 = tpu.memref_slice %arg7[%dma_start3A_198, %dma_start3A_199, %dma_start3A_200] : memref<4x1x128xi32, #tpu.memory_space<vmem>> -> memref<1x1x128xi32, #tpu.memory_space<vmem>>
      %dma_start3A_202 = tpu.memref_squeeze %dma_start3A_201 : memref<1x1x128xi32, #tpu.memory_space<vmem>> -> memref<128xi32, #tpu.memory_space<vmem>>
      %dma_start3A_203 = arith.constant 0 : i32
      %dma_start3A_204 = arith.constant 0 : i32
      %dma_start3A_205 = tpu.memref_slice %arg2[%dma_start3A_203, %dma_start3A_204] : memref<10000x128xf32, #tpu.memory_space<hbm>> -> memref<10000x128xf32, #tpu.memory_space<hbm>>
      tpu.enqueue_indirect_dma source(%dma_start3A_205 : memref<10000x128xf32, #tpu.memory_space<hbm>>) target(%arg9 : memref<128x128xf32, #tpu.memory_space<vmem>>) offsets(%dma_start3A_202 : memref<128xi32, #tpu.memory_space<vmem>>) semaphore(%arg12 : memref<!tpu.dma_semaphore, #tpu.memory_space<semaphore_mem>>)
      %dma_wait3A_206 = arith.constant 0 : i32
      %dma_wait3A_207 = arith.constant 0 : i32
      %dma_wait3A_208 = arith.constant 0 : i32
      %dma_wait3A_209 = tpu.memref_slice %arg7[%dma_wait3A_206, %dma_wait3A_207, %dma_wait3A_208] : memref<4x1x128xi32, #tpu.memory_space<vmem>> -> memref<1x1x128xi32, #tpu.memory_space<vmem>>
      %dma_wait3A_210 = tpu.memref_squeeze %dma_wait3A_209 : memref<1x1x128xi32, #tpu.memory_space<vmem>> -> memref<128xi32, #tpu.memory_space<vmem>>
      %dma_wait3A_211 = arith.constant 0 : i32
      %dma_wait3A_212 = arith.constant 0 : i32
      %dma_wait3A_213 = tpu.memref_slice %arg2[%dma_wait3A_211, %dma_wait3A_212] : memref<10000x128xf32, #tpu.memory_space<hbm>> -> memref<10000x128xf32, #tpu.memory_space<hbm>>
      tpu.wait_indirect_dma semaphore(%arg12 : memref<!tpu.dma_semaphore, #tpu.memory_space<semaphore_mem>>) src(%dma_wait3A_213 : memref<10000x128xf32, #tpu.memory_space<hbm>>) dst(%arg9 : memref<128x128xf32, #tpu.memory_space<vmem>>)
      %run_scoped3A = arith.constant 0 : i32
      %run_scoped3A_214 = arith.constant 0 : i32
      "tpu.region"() ({
        %run_scoped3A_215 = tpu.sem_alloc : memref<!tpu.dma_semaphore, #tpu.memory_space<semaphore_mem>>
        %dma_start3A_216 = arith.constant 0 : i32
        %dma_start3A_217 = tpu.memref_slice %arg8[%run_scoped3A, %run_scoped3A_214, %dma_start3A_216] : memref<4x1x128xi32, #tpu.memory_space<vmem>> -> memref<1x1x128xi32, #tpu.memory_space<vmem>>
        %dma_start3A_218 = tpu.memref_squeeze %dma_start3A_217 : memref<1x1x128xi32, #tpu.memory_space<vmem>> -> memref<128xi32, #tpu.memory_space<vmem>>
        %dma_start3A_219 = arith.constant 0 : i32
        %dma_start3A_220 = arith.constant 0 : i32
        %dma_start3A_221 = tpu.memref_slice %arg11[%dma_start3A_219, %dma_start3A_220] : memref<10000x128xf32, #tpu.memory_space<vmem_shared>> -> memref<10000x128xf32, #tpu.memory_space<vmem_shared>>
        tpu.enqueue_indirect_dma source(%arg9 : memref<128x128xf32, #tpu.memory_space<vmem>>) target(%dma_start3A_221 : memref<10000x128xf32, #tpu.memory_space<vmem_shared>>) offsets(%dma_start3A_218 : memref<128xi32, #tpu.memory_space<vmem>>) semaphore(%run_scoped3A_215 : memref<!tpu.dma_semaphore, #tpu.memory_space<semaphore_mem>>) {add = true}
        %dma_wait3A_222 = arith.constant 0 : i32
        %dma_wait3A_223 = tpu.memref_slice %arg8[%run_scoped3A, %run_scoped3A_214, %dma_wait3A_222] : memref<4x1x128xi32, #tpu.memory_space<vmem>> -> memref<1x1x128xi32, #tpu.memory_space<vmem>>
        %dma_wait3A_224 = tpu.memref_squeeze %dma_wait3A_223 : memref<1x1x128xi32, #tpu.memory_space<vmem>> -> memref<128xi32, #tpu.memory_space<vmem>>
        %dma_wait3A_225 = arith.constant 0 : i32
        %dma_wait3A_226 = arith.constant 0 : i32
        %dma_wait3A_227 = tpu.memref_slice %arg11[%dma_wait3A_225, %dma_wait3A_226] : memref<10000x128xf32, #tpu.memory_space<vmem_shared>> -> memref<10000x128xf32, #tpu.memory_space<vmem_shared>>
        tpu.wait_indirect_dma semaphore(%run_scoped3A_215 : memref<!tpu.dma_semaphore, #tpu.memory_space<semaphore_mem>>) src(%arg9 : memref<128x128xf32, #tpu.memory_space<vmem>>) dst(%dma_wait3A_227 : memref<10000x128xf32, #tpu.memory_space<vmem_shared>>)
        tpu.yield
      }) : () -> ()
    } else {
    }
    %barrier3A_124 = arith.constant 0 : index
    tpu.barrier barrier_id(%barrier3A_124)
    %mul3A_125 = arith.constant 624 : i32
    %mul3A_126 = arith.muli %arg1, %mul3A_125 : i32
    %mul3A_127 = arith.constant 624 : i32
    %mul3A_128 = arith.muli %arg1, %mul3A_127 : i32
    "tpu.region"() ({
      %run_scoped3A = tpu.sem_alloc : memref<!tpu.dma_semaphore, #tpu.memory_space<semaphore_mem>>
      %dma_start3A_134 = arith.constant 0 : i32
      %dma_start3A_135 = tpu.memref_slice %arg6[%arg0, %mul3A_128, %dma_start3A_134] : memref<2x10000x128xf32, #tpu.memory_space<hbm>> -> memref<1x624x128xf32, #tpu.memory_space<hbm>>
      %dma_start3A_136 = tpu.memref_squeeze %dma_start3A_135 : memref<1x624x128xf32, #tpu.memory_space<hbm>> -> memref<624x128xf32, #tpu.memory_space<hbm>>
      %dma_start3A_137 = arith.constant 0 : i32
      %dma_start3A_138 = tpu.memref_slice %arg11[%mul3A_126, %dma_start3A_137] : memref<10000x128xf32, #tpu.memory_space<vmem_shared>> -> memref<624x128xf32, #tpu.memory_space<vmem_shared>>
      tpu.enqueue_dma source(%dma_start3A_138 : memref<624x128xf32, #tpu.memory_space<vmem_shared>>) target(%dma_start3A_136 : memref<624x128xf32, #tpu.memory_space<hbm>>) target_semaphore(%run_scoped3A : memref<!tpu.dma_semaphore, #tpu.memory_space<semaphore_mem>>)
      %dma_wait3A_139 = arith.constant 0 : i32
      %dma_wait3A_140 = tpu.memref_slice %arg6[%arg0, %mul3A_128, %dma_wait3A_139] : memref<2x10000x128xf32, #tpu.memory_space<hbm>> -> memref<1x624x128xf32, #tpu.memory_space<hbm>>
      %dma_wait3A_141 = tpu.memref_squeeze %dma_wait3A_140 : memref<1x624x128xf32, #tpu.memory_space<hbm>> -> memref<624x128xf32, #tpu.memory_space<hbm>>
      %dma_wait3A_142 = arith.constant 0 : i32
      %dma_wait3A_143 = tpu.memref_slice %arg11[%mul3A_126, %dma_wait3A_142] : memref<10000x128xf32, #tpu.memory_space<vmem_shared>> -> memref<624x128xf32, #tpu.memory_space<vmem_shared>>
      tpu.wait_dma2 semaphore(%run_scoped3A : memref<!tpu.dma_semaphore, #tpu.memory_space<semaphore_mem>>) src(%dma_wait3A_143 : memref<624x128xf32, #tpu.memory_space<vmem_shared>>) dst(%dma_wait3A_141 : memref<624x128xf32, #tpu.memory_space<hbm>>)
      tpu.yield
    }) : () -> ()
    %eq3A_129 = arith.constant 0 : i32
    %eq3A_130 = arith.cmpi eq, %arg1, %eq3A_129 : i32
    %convert_element_type3A_131 = arith.extui %eq3A_130 : i1 to i32
    %cond3A_132 = arith.constant 0 : i32
    %cond3A_133 = arith.cmpi ne, %convert_element_type3A_131, %cond3A_132 : i32
    scf.if %cond3A_133 {
      "tpu.region"() ({
        %run_scoped3A = tpu.sem_alloc : memref<!tpu.dma_semaphore, #tpu.memory_space<semaphore_mem>>
        %dma_start3A_134 = arith.constant 9984 : i32
        %dma_start3A_135 = arith.constant 0 : i32
        %dma_start3A_136 = tpu.memref_slice %arg6[%arg0, %dma_start3A_134, %dma_start3A_135] : memref<2x10000x128xf32, #tpu.memory_space<hbm>> -> memref<1x16x128xf32, #tpu.memory_space<hbm>>
        %dma_start3A_137 = tpu.memref_squeeze %dma_start3A_136 : memref<1x16x128xf32, #tpu.memory_space<hbm>> -> memref<16x128xf32, #tpu.memory_space<hbm>>
        %dma_start3A_138 = arith.constant 9984 : i32
        %dma_start3A_139 = arith.constant 0 : i32
        %dma_start3A_140 = tpu.memref_slice %arg11[%dma_start3A_138, %dma_start3A_139] : memref<10000x128xf32, #tpu.memory_space<vmem_shared>> -> memref<16x128xf32, #tpu.memory_space<vmem_shared>>
        tpu.enqueue_dma source(%dma_start3A_140 : memref<16x128xf32, #tpu.memory_space<vmem_shared>>) target(%dma_start3A_137 : memref<16x128xf32, #tpu.memory_space<hbm>>) target_semaphore(%run_scoped3A : memref<!tpu.dma_semaphore, #tpu.memory_space<semaphore_mem>>)
        %dma_wait3A_141 = arith.constant 9984 : i32
        %dma_wait3A_142 = arith.constant 0 : i32
        %dma_wait3A_143 = tpu.memref_slice %arg6[%arg0, %dma_wait3A_141, %dma_wait3A_142] : memref<2x10000x128xf32, #tpu.memory_space<hbm>> -> memref<1x16x128xf32, #tpu.memory_space<hbm>>
        %dma_wait3A_144 = tpu.memref_squeeze %dma_wait3A_143 : memref<1x16x128xf32, #tpu.memory_space<hbm>> -> memref<16x128xf32, #tpu.memory_space<hbm>>
        %dma_wait3A_145 = arith.constant 9984 : i32
        %dma_wait3A_146 = arith.constant 0 : i32
        %dma_wait3A_147 = tpu.memref_slice %arg11[%dma_wait3A_145, %dma_wait3A_146] : memref<10000x128xf32, #tpu.memory_space<vmem_shared>> -> memref<16x128xf32, #tpu.memory_space<vmem_shared>>
        tpu.wait_dma2 semaphore(%run_scoped3A : memref<!tpu.dma_semaphore, #tpu.memory_space<semaphore_mem>>) src(%dma_wait3A_147 : memref<16x128xf32, #tpu.memory_space<vmem_shared>>) dst(%dma_wait3A_144 : memref<16x128xf32, #tpu.memory_space<hbm>>)
        tpu.yield
      }) : () -> ()
    } else {
    }
    return
  }
}

module attributes {stable_mosaic.version = 14 : i64} {
  func.func @_tc_norm_body(%arg0: memref<10000x128xf32, #tpu.memory_space<vmem>>, %arg1: memref<2x2x10000xf32, #tpu.memory_space<vmem>>, %arg2: memref<10000x128xf32, #tpu.memory_space<vmem>>) attributes {dimension_semantics = [], scalar_prefetch = 0 : i64, scratch_operands = 0 : i64, tpu.core_type = #tpu.core_type<tc>} {
    %get3A = arith.constant 0 : index
    %get3A_0 = arith.constant 0 : index
    %get3A_1 = arith.constant 0 : index
    %get3A_2 = vector.load %arg1[%get3A, %get3A_0, %get3A_1] : memref<2x2x10000xf32, #tpu.memory_space<vmem>>, vector<1x1x10000xf32>
    %get3A_3 = vector.shape_cast %get3A_2 : vector<1x1x10000xf32> to vector<10000xf32>
    %get3A_4 = arith.constant 1 : index
    %get3A_5 = arith.constant 0 : index
    %get3A_6 = arith.constant 0 : index
    %get3A_7 = vector.load %arg1[%get3A_4, %get3A_5, %get3A_6] : memref<2x2x10000xf32, #tpu.memory_space<vmem>>, vector<1x1x10000xf32>
    %get3A_8 = vector.shape_cast %get3A_7 : vector<1x1x10000xf32> to vector<10000xf32>
    %add3A = arith.addf %get3A_3, %get3A_8 : vector<10000xf32>
    %max3A = arith.constant 1.000000e+00 : f32
    %max3A_9 = vector.broadcast %max3A : f32 to vector<10000xf32>
    %max3A_10 = arith.maximumf %add3A, %max3A_9 : vector<10000xf32>
    %rsqrt3A = math.rsqrt %max3A_10 : vector<10000xf32>
    %get3A_11 = arith.constant 0 : index
    %get3A_12 = arith.constant 0 : index
    %get3A_13 = vector.load %arg0[%get3A_11, %get3A_12] : memref<10000x128xf32, #tpu.memory_space<vmem>>, vector<10000x128xf32>
    %broadcast_in_dim3A = vector.shape_cast %rsqrt3A : vector<10000xf32> to vector<10000x1xf32>
    %mul3A = vector.broadcast %broadcast_in_dim3A : vector<10000x1xf32> to vector<10000x128xf32>
    %mul3A_14 = arith.mulf %get3A_13, %mul3A : vector<10000x128xf32>
    %swap3A = arith.constant 0 : index
    %swap3A_15 = arith.constant 0 : index
    %swap3A_16 = vector.load %arg2[%swap3A, %swap3A_15] : memref<10000x128xf32, #tpu.memory_space<vmem>>, vector<10000x128xf32>
    tpu.vector_store %arg2[%swap3A, %swap3A_15], %mul3A_14 {strides = array<i32>} : memref<10000x128xf32, #tpu.memory_space<vmem>>, vector<10000x128xf32>,
    return
  }
}

module attributes {stable_mosaic.version = 14 : i64} {
  func.func @_tc_final_body(%arg0: memref<2x10000x128xf32, #tpu.memory_space<vmem>>, %arg1: memref<2x2x10000xf32, #tpu.memory_space<vmem>>, %arg2: memref<10000x128xf32, #tpu.memory_space<vmem>>) attributes {dimension_semantics = [], scalar_prefetch = 0 : i64, scratch_operands = 0 : i64, tpu.core_type = #tpu.core_type<tc>} {
    %get3A = arith.constant 0 : index
    %get3A_0 = arith.constant 1 : index
    %get3A_1 = arith.constant 0 : index
    %get3A_2 = vector.load %arg1[%get3A, %get3A_0, %get3A_1] : memref<2x2x10000xf32, #tpu.memory_space<vmem>>, vector<1x1x10000xf32>
    %get3A_3 = vector.shape_cast %get3A_2 : vector<1x1x10000xf32> to vector<10000xf32>
    %get3A_4 = arith.constant 1 : index
    %get3A_5 = arith.constant 1 : index
    %get3A_6 = arith.constant 0 : index
    %get3A_7 = vector.load %arg1[%get3A_4, %get3A_5, %get3A_6] : memref<2x2x10000xf32, #tpu.memory_space<vmem>>, vector<1x1x10000xf32>
    %get3A_8 = vector.shape_cast %get3A_7 : vector<1x1x10000xf32> to vector<10000xf32>
    %add3A = arith.addf %get3A_3, %get3A_8 : vector<10000xf32>
    %max3A = arith.constant 1.000000e+00 : f32
    %max3A_9 = vector.broadcast %max3A : f32 to vector<10000xf32>
    %max3A_10 = arith.maximumf %add3A, %max3A_9 : vector<10000xf32>
    %rsqrt3A = math.rsqrt %max3A_10 : vector<10000xf32>
    %get3A_11 = arith.constant 0 : index
    %get3A_12 = arith.constant 0 : index
    %get3A_13 = arith.constant 0 : index
    %get3A_14 = vector.load %arg0[%get3A_11, %get3A_12, %get3A_13] : memref<2x10000x128xf32, #tpu.memory_space<vmem>>, vector<1x10000x128xf32>
    %get3A_15 = vector.shape_cast %get3A_14 : vector<1x10000x128xf32> to vector<10000x128xf32>
    %get3A_16 = arith.constant 1 : index
    %get3A_17 = arith.constant 0 : index
    %get3A_18 = arith.constant 0 : index
    %get3A_19 = vector.load %arg0[%get3A_16, %get3A_17, %get3A_18] : memref<2x10000x128xf32, #tpu.memory_space<vmem>>, vector<1x10000x128xf32>
    %get3A_20 = vector.shape_cast %get3A_19 : vector<1x10000x128xf32> to vector<10000x128xf32>
    %add3A_21 = arith.addf %get3A_15, %get3A_20 : vector<10000x128xf32>
    %broadcast_in_dim3A = vector.shape_cast %rsqrt3A : vector<10000xf32> to vector<10000x1xf32>
    %mul3A = vector.broadcast %broadcast_in_dim3A : vector<10000x1xf32> to vector<10000x128xf32>
    %mul3A_22 = arith.mulf %add3A_21, %mul3A : vector<10000x128xf32>
    %swap3A = arith.constant 0 : index
    %swap3A_23 = arith.constant 0 : index
    %swap3A_24 = vector.load %arg2[%swap3A, %swap3A_23] : memref<10000x128xf32, #tpu.memory_space<vmem>>, vector<10000x128xf32>
    tpu.vector_store %arg2[%swap3A, %swap3A_23], %mul3A_22 {strides = array<i32>} : memref<10000x128xf32, #tpu.memory_space<vmem>>, vector<10000x128xf32>,
    return
  }
}

</mosaic_0001>

<sc_bundles>
// kernel: kernel.6.cloned.1.call-start
scs
__scs_entry_jumppad:
0x0: {  	(pc) =	sbr.rel $0x88, $3  }
0x1: {  	(tag) =	ssettag $0x0;
	lr =	simm.s32 $0x1  }
0x2: {  	[smem:$0x3F9F] =	sst lr;
	_ =	strace $0xD0000000  }
0x3: {  	_ = 	snop  }
0x4: {  	_ = 	snop  }
0x5: {  	_ = 	snop  }
0x6: {  	_ = 	snop  }
0x7: {  	_ = 	snop  }
__scs_overlays_trampoline_lowered:
0x8: {  	[smem:$0x3FAE] =	sst s0  }
0x9: {  	[smem:$0x3FAF] =	sst s1  }
0xa: {  	[smem:$0x3FB0] =	sst s2  }
0xb: {  	[smem:$0x3FB1] =	sst s3  }
0xc: {  	[smem:$0x3FB2] =	sst s4  }
0xd: {  	[smem:$0x3FB3] =	sst s5  }
0xe: {  	[smem:$0x3FB4] =	sst s6  }
0xf: {  	[smem:$0x3FB5] =	sst s7  }
0x10: {  	[smem:$0x3FB6] =	sst s8  }
0x11: {  	[smem:$0x3FB7] =	sst s9;
	s0 =	simm.s32 @!p0 $0x0  }
0x12: {  	s1 =	sld [smem:$0x3F9D];
	s0 =	simm.s32 @p0 $0x1  }
0x13: {  	[smem:$0x3FB8] =	sst s0;
	s0 =	simm.s32 @!p1 $0x0  }
0x14: {  	s2 =	sld [smem:$0x3F9C];
	s0 =	simm.s32 @p1 $0x1  }
0x15: {  	[smem:$0x3FB9] =	sst s0;
	s0 =	simm.s32 @!p2 $0x0  }
0x16: {  	s3 =	sld [smem:$0x3FDB];
	s0 =	simm.s32 @p2 $0x1  }
0x17: {  	s4 =	simm.s32 $0x1BF5;
	[smem:$0x3FBB] =	sst s0  }
0x18: {  	s0 =	sld [smem:$0x3F9E];
	_ =	swait.ge [sflag:s4], $0x0  }
0x19: {  	s7 =	sld [smem:$0x3F9F]  }
0x1a: {  	s8 =	sadd.s32 $0xFFFFE003, lr  }
0x1b: {  	s9 =	sadd.s32 $0xFFFFFEF7, lr;
	s5 =	simm.s32 $0xFFFFFFFF;
	p2 =	slt.u32 s8, $0xFFFFF086  }
0x1c: {  	p1 =	slt.u32 s9, $0xF7A;
	s5 =	simm.s32 @!p2 $0x0  }
0x1d: {  	s5 =	simm.s32 @p1 $0x1;
	p0 =	seq.s32 s7, s2  }
0x1e: {  	s7 =	smul.u32 @!p0 $0xF7A, s2;
	p2 =	seq.s32 @!p0 s5, $0x0  }
0x1f: {  	s9 =	smul.u32 $0xF7A, s1;
	s8 =	simm.s32 @!p0 $0x1BF5;
	p2 =	por !p2, p0  }
0x20: {  	[sflag:s8] =	ssyncset.s32 @!p0 $0xFFFFF086;
	s6 =	sadd.s32 @!p0 s3, s7;
	s7 =	simm.s32 @!p0 $0x108  }
0x21: {  	s3 =	sadd.s32 s3, s9;
	s6 =	sadd.s32 @!p0 $0x88, s6;
	s7 =	simm.s32 @p2 $0x1082  }
0x22: {  	[simem:s7], [sflag:s8] =	dma.local @!p0 [hbm:s6], $0xF7A  }
0x23: {  	s9 =	sor.u32 $0xD0000000, s2;
	s6 =	simm.s32 $0x108;
	_ =	swait.ge @!p0 [sflag:s8], $0x0  }
0x24: {  	s3 =	sadd.s32 $0x88, s3;
	s6 =	simm.s32 @!p1 $0x1082;
	[sflag:s4] =	ssyncset.s32 $0xFFFFF086  }
0x25: {  	[simem:s6], [sflag:s4] =	dma.local [hbm:s3], $0xF7A  }
0x26: {  	[smem:$0x3F9F] =	sst s1;
	(tag) =	ssettag s2;
	_ =	strace s9  }
0x27: {  	s1 =	sld [smem:$0x3FAF]  }
0x28: {  	s2 =	sld [smem:$0x3FB0]  }
0x29: {  	s4 =	sld [smem:$0x3FB2]  }
0x2a: {  	p0 =	seq.s32 s5, $0x0;
	s5 =	sld [smem:$0x3FB3]  }
0x2b: {  	s6 =	sld [smem:$0x3FB4]  }
0x2c: {  	s7 =	sld [smem:$0x3FB5]  }
0x2d: {  	s3 =	simm.s32 $0x108;
	s8 =	sld [smem:$0x3FB6]  }
0x2e: {  	s3 =	simm.s32 @!p0 $0x1082;
	s9 =	sld [smem:$0x3FB7]  }
0x2f: {  	lr =	sadd.s32 s0, s3;
	s0 =	sld [smem:$0x3FAE]  }
0x30: {  	s3 =	sld [smem:$0x3FB1]  }
0x31: {  	[smem:$0x3FBA] =	sst s10  }
0x32: {  	s10 =	sld [smem:$0x3FB8];
	_ =	sdelay $0x3  }
0x33: {  	p0 =	seq.s32 s10, $0x1;
	s10 =	sld [smem:$0x3FBA];
	_ =	sdelay $0x3  }
0x34: {  	[smem:$0x3FBA] =	sst s10  }
0x35: {  	s10 =	sld [smem:$0x3FB9];
	_ =	sdelay $0x3  }
0x36: {  	p1 =	seq.s32 s10, $0x1;
	s10 =	sld [smem:$0x3FBA];
	_ =	sdelay $0x3  }
0x37: {  	[smem:$0x3FBA] =	sst s10  }
0x38: {  	s10 =	sld [smem:$0x3FBB]  }
0x39: {  	_ = 	snop;
	(pc) =	sbr.ind lr, $3  }
0x3a: {  	_ = 	snop  }
0x3b: {  	_ = 	snop  }
0x3c: {  	p2 =	seq.s32 s10, $0x1;
	s10 =	sld [smem:$0x3FBA]  }
0x3d: {  	_ =	shalt  }
0x3e: {  	_ =	shalt  }
0x3f: {  	_ =	shalt  }
0x40: {  	_ =	shalt  }
0x41: {  	_ =	shalt  }
0x42: {  	_ =	shalt  }
0x43: {  	_ =	shalt  }
0x44: {  	_ =	shalt  }
0x45: {  	_ =	shalt  }
0x46: {  	_ =	shalt  }
0x47: {  	_ =	shalt  }
0x48: {  	_ =	shalt  }
0x49: {  	_ =	shalt  }
0x4a: {  	_ =	shalt  }
0x4b: {  	_ =	shalt  }
0x4c: {  	_ =	shalt  }
0x4d: {  	_ =	shalt  }
0x4e: {  	_ =	shalt  }
0x4f: {  	_ =	shalt  }
0x50: {  	_ =	shalt  }
0x51: {  	_ =	shalt  }
0x52: {  	_ =	shalt  }
0x53: {  	_ =	shalt  }
0x54: {  	_ =	shalt  }
0x55: {  	_ =	shalt  }
0x56: {  	_ =	shalt  }
0x57: {  	_ =	shalt  }
0x58: {  	_ =	shalt  }
0x59: {  	_ =	shalt  }
0x5a: {  	_ =	shalt  }
0x5b: {  	_ =	shalt  }
0x5c: {  	_ =	shalt  }
0x5d: {  	_ =	shalt  }
0x5e: {  	_ =	shalt  }
0x5f: {  	_ =	shalt  }
0x60: {  	_ =	shalt  }
0x61: {  	_ =	shalt  }
0x62: {  	_ =	shalt  }
0x63: {  	_ =	shalt  }
0x64: {  	_ =	shalt  }
0x65: {  	_ =	shalt  }
0x66: {  	_ =	shalt  }
0x67: {  	_ =	shalt  }
0x68: {  	_ =	shalt  }
0x69: {  	_ =	shalt  }
0x6a: {  	_ =	shalt  }
0x6b: {  	_ =	shalt  }
0x6c: {  	_ =	shalt  }
0x6d: {  	_ =	shalt  }
0x6e: {  	_ =	shalt  }
0x6f: {  	_ =	shalt  }
0x70: {  	_ =	shalt  }
0x71: {  	_ =	shalt  }
0x72: {  	_ =	shalt  }
0x73: {  	_ =	shalt  }
0x74: {  	_ =	shalt  }
0x75: {  	_ =	shalt  }
0x76: {  	_ =	shalt  }
0x77: {  	_ =	shalt  }
0x78: {  	_ =	shalt  }
0x79: {  	_ =	shalt  }
0x7a: {  	_ =	shalt  }
0x7b: {  	_ =	shalt  }
0x7c: {  	_ =	shalt  }
0x7d: {  	_ =	shalt  }
0x7e: {  	_ =	shalt  }
0x7f: {  	_ =	shalt  }
0x80: {  	_ =	shalt  }
0x81: {  	_ =	shalt  }
0x82: {  	_ =	shalt  }
0x83: {  	_ =	shalt  }
0x84: {  	_ =	shalt  }
0x85: {  	_ =	shalt  }
0x86: {  	_ =	shalt  }
0x87: {  	_ =	shalt  }
.Lfunc_end0:
.L_simem_size_0:
called_computation_lowered:
.L_overlay_start_0:
0x88: {  	s2 =	sld [smem:$0x3FD9]  }
0x89: {  	s3 =	sld [smem:$0x3FFE];
	_ =	sdelay $0x1  }
0x8a: {  	s1 =	srdreg.scid  }
0x8b: {  	s0 =	sand.u32 $0x1, s1  }
0x8c: {  	s17 =	sshll.u32 s0, $0xA;
	s2 =	sadd.s32 s3, s2  }
0x8d: {  	s2 =	sadd.s32 s2, s17  }
0x8e: {  	[smem:$0x3FC6] =	sst s2  }
0x8f: {  	_ = 	snop  }
0x90: {  	s2 =	sld [smem:$0x3FD0];
	(tm) =	ssettm $0x1  }
0x91: {  	s18 =	sld [smem:$0x3FFB];
	_ =	sdelay $0x3  }
0x92: {  	_ =	strace s18  }
0x93: {  	s3 =	sld [smem:$0x3FFC];
	_ =	sdelay $0x3  }
0x94: {  	_ =	strace s3  }
0x95: {  	s3 =	sld [smem:$0x3FFD];
	_ =	sdelay $0x3  }
0x96: {  	_ =	strace s3  }
0x97: {  	_ =	strace $0x8FFFFFFF  }
0x98: {  	s19 =	sld [smem:$0x3FDB];
	_ =	sdelay $0x1  }
0x99: {  	s4 =	simm.s32 $_scs_section_size  }
0x9a: {  	s5 =	simm.s32 $_size__tile_overlayer_lowered;
	s6 =	simm.s32 $_tile_overlayer_lowered  }
0x9b: {  	s22 =	simm.s32 $0x1BFF;
	s21 =	sshll.u32 s6, $0x1;
	s3 =	sadd.s32 s4, s19  }
0x9c: {  	s7 =	simm.s32 $0x0;
	s20 =	sshll.u32 s5, $0x1;
	s5 =	sadd.s32 s21, s3  }
0x9d: {  	[timem:s7], [sflag:s22] =	dma.local [hbm:s5], s20  }
0x9e: {  	_ =	swait.ge [sflag:s22], s20  }
0x9f: {  	s4 =	ssub.s32 $0x0, s20;
	[sflag:s22] =	ssyncset.done $0x0  }
0xa0: {  	[sflag:s22] =	ssyncadd.s32 s4;
	_ =	sdelay $0x1  }
0xa1: {  	s23 =	simm.s32 $0x1B8B  }
0xa2: {  	_ =	swait.ge [sflag:s23], $0x1  }
0xa3: {  	[sflag:s23] =	ssyncset.done $0x0  }
0xa4: {  	s25 =	simm.s32 $0x1B8E;
	s24 =	sld [smem:$0x3FFE];
	[sflag:s23] =	ssyncadd.s32 $0xFFFFFFFF  }
0xa5: {  	s26 =	simm.s32 $execute0_lowered;
	[smem:$0x3FD2] =	sst s25  }
0xa6: {  	s5 =	sshll.u32 s26, $0x1;
	_ =	strace $0x80000046;
	[dreg:$0x1] =	wrdreg $0xFFFFFFFF  }
0xa7: {  	s28 =	simm.s32 $_size_execute0_lowered;
	s3 =	sadd.s32 s3, s5;
	[dreg:$0x0] =	wrdreg $0x0  }
0xa8: {  	s5 =	sshll.u32 s28, $0x1;
	[dreg:$0x2] =	wrdreg s3  }
0xa9: {  	[dreg:$0x3] =	wrdreg s5  }
0xaa: {  	[dreg:$0x4] =	wrdreg $0xC0  }
0xab: {  	_ =	task [dreg:s7], $0x5FFFF  }
0xac: {  	[dreg:$0x1] =	wrdreg $0xFFFFFFFF  }
0xad: {  	[dreg:$0x0] =	wrdreg $0x60  }
0xae: {  	[dreg:$0x2] =	wrdreg s24  }
0xaf: {  	[dreg:$0x3] =	wrdreg s2  }
0xb0: {  	[dreg:$0x4] =	wrdreg $0x9D800  }
0xb1: {  	[dreg:$0x5] =	wrdreg $0x9FF80  }
0xb2: {  	[dreg:$0x6] =	wrdreg $0x9  }
0xb3: {  	_ =	task.clear_ibuf [dreg:s7], $0x7FFFF;
	_ =	strace $0x90000046  }
0xb4: {  	s29 =	simm.s32 $0x9;
	_ =	strace $0x80000048  }
0xb5: {  	_ =	swait.ge [sflag:s29], $0x1  }
0xb6: {  	[sflag:s29] =	ssyncadd.s32 $0xFFFFFFFF  }
0xb7: {  	_ =	strace $0x90000048  }
0xb8: {  	_ =	sfence  }
0xb9: {  	s30 =	sld [smem:$0x0];
	_ =	sdelay $0x2  }
0xba: {  	s31 =	sshll.u32 s1, $0xD;
	s1 =	sshrl.u32 s1, $0x2  }
0xbb: {  	s3 =	sand.u32 $0x4000, s31;
	s1 =	sadd.s32 s1, s30  }
0xbc: {  	s0 =	sor.u32 s3, s0;
	s1 =	sshll.u32 s1, $0x11  }
0xbd: {  	s0 =	sor.u32 s1, s0  }
0xbe: {  	s0 =	sadd.s32 $0x8F2B, s0  }
0xbf: {  	[sflag:s0] =	ssyncadd.remote.s32 $0x1  }
0xc0: {  	_ =	sfence.sel $0xFFFF  }
0xc1: {  	[dreg:$0x0] =	wrdreg $0xFFFFFFFF;
	(pc) =	sbr.abs _section_cstart, $3  }
0xc2: {  	[dreg:$0x1] =	wrdreg $0xFFFFFFFF  }
0xc3: {  	_ =	task.clear_ibuf [dreg:s7], $0x2FFFF;
	_ =	strace $0x9FFFFFFF  }
0xc4: {  	(tm) =	ssettm $0x7FFFFFFF  }
0xc5: {  	_ =	shalt  }
tec
execute0_lowered:
.L_overlay_start_1:
0x0: {  	(tag) =	ssettag $0x1  }
0x1: {  	s5 =	rddreg [dreg:$0x0]  }
0x2: {  	s10 =	rddreg [dreg:$0x1]  }
0x3: {  	s1 =	rddreg [dreg:$0x2]  }
0x4: {  	s2 =	rddreg [dreg:$0x3]  }
0x5: {  	s0 =	rddreg [dreg:$0x4]  }
0x6: {  	s3 =	simm.s32 $0x0;
	s4 =	srdreg.scid;
	s19 =	stileid.u32  }
0x7: {  	s15 =	simm.s32 $0x2700;
	s16 =	simm.s32 $0x4E00;
	s17 =	simm.s32 $0x1  }
0x8: {  	s18 =	simm.s32 $0x80;
	s20 =	simm.s32 $0x1C02;
	s21 =	simm.s32 $0x0  }
0x9: {  	[smem:$0x7FF] =	sst s3;
	s8 =	sadd.s32 $0xB600, s5;
	s7 =	sand.u32 $0x1, s4  }
0xa: {  	s31 =	sshll.u32 s19, $0x1;
	s9 =	sadd.s32 $0x1800, s5;
	s4 =	sadd.s32 $0x15400, s5  }
0xb: {  	s5 =	sadd.s32 $0x15600, s5;
	p0 =	seq.s32 s19, $0x1;
	p2 =	slt.u32 s19, $0x2  }
0xc: {  	p1 =	sne.s32 s19, $0x0;
	s11 =	sor.u32 s7, s31;
	s14 =	smul.u32 $0x9E0, s7  }
0xd: {  	s19 =	simm.s32 $0x4E80;
	s6 =	ssub.s32 $0x2, s7;
	s13 =	smul.u32 $0x4E0, s11  }
.Ltmp0:
0xe: {  	s12 =	sshrl.u32 s6, $0x1;
	s11 =	sshll.u32 s11, $0x4;
	(pc) =	sbr.rel .LBB2_1-.Ltmp0, $4  }
0xf: {  	_ =	strace $0x80000047;
	s12 =	ssub.s32 s6, s12;
	s11 =	sor.u32 $0x9C00, s11  }
0x10: {  	s10 =	sadd.s32 s10, s14;
	s14 =	simm.s32 $0x2;
	s6 =	sadd.s32 s8, s13  }
0x11: {  	s7 =	sadd.s32 s9, s13;
	s8 =	sadd.s32 s8, s11;
	s9 =	sadd.s32 s9, s11  }
0x12: {  	s11 =	smax.u32 s12, $0x1;
	s12 =	sshrl.u32 s2, $0x3;
	s13 =	simm.s32 $0x1C42  }
.LBB2_11:
0x13: {  	[bflag:$0x0] =	sbarrier.arrive $0xFFFF  }
.LBB2_18:
0x14: {  	s21 =	sadd.s32 $0x1, s21  }
0x15: {  	p3 =	sne.s32 s21, s11  }
.Ltmp1:
0x16: {  	_ = 	snop;
	(pc) =	sbr.rel @!p3 .LBB2_19-.Ltmp1, $1  }
0x17: {  	_ =	sdelay $0x3  }
.LBB2_1:
.Ltmp2:
0x18: {  	(pc) =	sbr.rel @p0 .LBB2_4-.Ltmp2, $1  }
0x19: {  	_ =	sdelay $0x3  }
.Ltmp3:
0x1a: {  	(pc) =	sbr.rel @p1 .LBB2_6-.Ltmp3, $1  }
0x1b: {  	_ =	sdelay $0x3  }
.Ltmp4:
0x1c: {  	(pc) =	sbr.rel .LBB2_5-.Ltmp4, $3  }
0x1d: {  	_ =	sdelay $0x1  }
0x1e: {  	s22 =	sshrl.u32 s1, $0x3  }
0x1f: {  	[spmem:s22], [sflag:s20] =	dma.local [hbm:s5], $0x4F0  }
.LBB2_4:
0x20: {  	[spmem:s12], [sflag:s13] =	dma.local [hbm:s5], $0x4F0  }
.LBB2_5:
0x21: {  	_ =	swait.ge [sflag:s14], $0x4F0  }
0x22: {  	[sflag:s14] =	ssyncset.done $0x0  }
0x23: {  	[sflag:s14] =	ssyncadd.s32 $0xFFFFFB10  }
.LBB2_6:
0x24: {  	s22 =	simm.s32 $0x0  }
0x25: {  	[tilespmem:s22], [sflag:$0x1] =	stream.linear.gather [hbm4b:s6+s22], $0x2700, $0x38;
	[tilespmem:$0xA270] =	vst v63  }
0x26: {  	_ = 	snop  }
0x27: {  	[tilespmem:s15], [sflag:$0x1] =	stream.linear.gather [hbm4b:s7+s22], $0x2700, $0x38;
	[tilespmem:$0xA270] =	vst v63  }
0x28: {  	_ = 	snop  }
0x29: {  	[tilespmem:s16], [sflag:$0x2] =	stream.linear.gather [hbm4b:s4+s22], $0x80, $0x38;
	[tilespmem:$0xA270] =	vst v63  }
0x2a: {  	_ =	swait.ge [sflag:s14], $0x80  }
0x2b: {  	[sflag:s14] =	ssyncset.done $0x0  }
0x2c: {  	[sflag:s14] =	ssyncadd.s32 $0xFFFFFF80  }
0x2d: {  	_ =	swait.ge [sflag:s17], $0x2700  }
0x2e: {  	[sflag:s17] =	ssyncset.done $0x0  }
0x2f: {  	[sflag:s17] =	ssyncadd.s32 $0xFFFFD900  }
0x30: {  	_ =	swait.ge [sflag:s17], $0x2700  }
0x31: {  	[sflag:s17] =	ssyncset.done $0x0  }
0x32: {  	s31 =	simm.s32 $0x0;
	[sflag:s17] =	ssyncadd.s32 $0xFFFFD900  }
0x33: {  	s23 =	simm.s32 $0x2700;
	s22 =	simm.s32 $0x200;
	[bflag:$0x0] =	sbarrier.arrive $0xFFFF  }
0x34: {  	[spmem:s1] =	stream.indirect.scatter.add.f32 [tilespmem:s16], [sflag:$0x1], $0x1, s31, s18, $0xb8;
	[tilespmem:$0xA270] =	vst v63  }
.LBB2_7:
0x35: {  	[spmem:s2] =	stream.indirect.scatter.add.f32 [tilespmem:s16], [sflag:$0x1], $0x1, s23, s18, $0xb8;
	[tilespmem:$0xA270] =	vst v63  }
0x36: {  	s23 =	smov.u32 s22;
	p3 =	sne.s32 s22, $0x9A00  }
.Ltmp5:
0x37: {  	s22 =	sadd.s32 $0x200, s22;
	(pc) =	sbr.rel @p3 .LBB2_7-.Ltmp5, $4  }
0x38: {  	_ = 	snop  }
0x39: {  	s23 =	sshra.s32 s23, $0x2  }
0x3a: {  	[spmem:s1] =	stream.indirect.scatter.add.f32 [tilespmem:s16], [sflag:$0x1], $0x1, s23, s18, $0xb8;
	[tilespmem:$0xA270] =	vst v63  }
0x3b: {  	s23 =	sadd.s32 $0x2700, s23  }
0x3c: {  	[spmem:s2] =	stream.indirect.scatter.add.f32 [tilespmem:s16], [sflag:$0x1], $0x1, s23, s18, $0xb8;
	[tilespmem:$0xA270] =	vst v63  }
0x3d: {  	_ =	swait.ge [sflag:s17], $0x80  }
0x3e: {  	s22 =	simm.s32 $0x9B;
	[sflag:s17] =	ssyncset.done $0x0  }
.LBB2_9:
0x3f: {  	p3 =	sne.s32 s22, $0x1;
	s22 =	sadd.s32 $0xFFFFFFFF, s22;
	[sflag:s17] =	ssyncadd.s32 $0xFFFFFF80  }
.Ltmp6:
0x40: {  	(pc) =	sbr.rel @p3 .LBB2_9-.Ltmp6, $3  }
0x41: {  	_ =	sdelay $0x1  }
0x42: {  	_ =	swait.ge [sflag:s17], $0x80  }
0x43: {  	[sflag:s17] =	ssyncset.done $0x0  }
.Ltmp7:
0x44: {  	(pc) =	sbr.rel @!p2 .LBB2_11-.Ltmp7, $2  }
0x45: {  	_ =	sdelay $0x2  }
0x46: {  	[sflag:s17] =	ssyncadd.s32 $0xFFFFFF80  }
0x47: {  	s22 =	simm.s32 $0x0  }
0x48: {  	[tilespmem:s22], [sflag:$0x2] =	stream.linear.gather [hbm4b:s8+s22], $0x80, $0x38;
	[tilespmem:$0xA270] =	vst v63  }
0x49: {  	_ =	swait.ge [sflag:s14], $0x80  }
0x4a: {  	[sflag:s14] =	ssyncset.done $0x0  }
0x4b: {  	[sflag:s14] =	ssyncadd.s32 $0xFFFFFF80  }
0x4c: {  	[tilespmem:s15], [sflag:$0x2] =	stream.linear.gather [hbm4b:s9+s22], $0x80, $0x38;
	[tilespmem:$0xA270] =	vst v63  }
0x4d: {  	_ =	swait.ge [sflag:s14], $0x80  }
0x4e: {  	[sflag:s14] =	ssyncset.done $0x0  }
0x4f: {  	[sflag:s14] =	ssyncadd.s32 $0xFFFFFF80  }
0x50: {  	[spmem:s1] =	stream.indirect.scatter.add.f32 [tilespmem:s16], [sflag:$0x2], $0x1, s22, s18, $0xb8;
	[tilespmem:$0xA270] =	vst v63  }
0x51: {  	_ =	swait.ge [sflag:s14], $0x80  }
0x52: {  	[sflag:s14] =	ssyncset.done $0x0  }
0x53: {  	[sflag:s14] =	ssyncadd.s32 $0xFFFFFF80  }
0x54: {  	[spmem:s2] =	stream.indirect.scatter.add.f32 [tilespmem:s16], [sflag:$0x2], $0x1, s15, s18, $0xb8;
	[tilespmem:$0xA270] =	vst v63  }
.Ltmp8:
0x55: {  	_ =	swait.ge [sflag:s14], $0x80;
	(pc) =	sbr.rel @p1 .LBB2_18-.Ltmp8, $3  }
0x56: {  	[sflag:s14] =	ssyncset.done $0x0  }
0x57: {  	[sflag:s14] =	ssyncadd.s32 $0xFFFFFF80  }
0x58: {  	[bflag:$0x0] =	sbarrier.arrive $0xFFFF;
	_ =	sdelay $0x1  }
0x59: {  	s22 =	simm.s32 $0x4E80;
	s23 =	sadd.s32 $0x0, s1  }
0x5a: {  	[tilespmem:s22], [sflag:$0x2] =	stream.linear.gather [spmem:s23], $0x80, $0x38;
	[tilespmem:$0xA270] =	vst v63  }
0x5b: {  	s23 =	simm.s32 $0x200  }
.LBB2_14:
0x5c: {  	p3 =	sne.s32 s23, $0x9C00  }
.Ltmp9:
0x5d: {  	_ = 	snop;
	(pc) =	sbr.rel @p3 .LBB2_14-.Ltmp9, $4  }
0x5e: {  	_ = 	snop  }
0x5f: {  	s24 =	sshra.s32 s23, $0x2;
	s23 =	sadd.s32 $0x200, s23  }
0x60: {  	s22 =	sadd.s32 $0x100, s22;
	s24 =	sadd.s32 s24, s1  }
0x61: {  	[tilespmem:s22], [sflag:$0x2] =	stream.linear.gather [spmem:s24], $0x80, $0x38;
	[tilespmem:$0xA270] =	vst v63  }
0x62: {  	_ =	swait.ge [sflag:s14], $0x2780  }
0x63: {  	[sflag:s14] =	ssyncset.done $0x0  }
0x64: {  	s22 =	simm.s32 $0x4F00;
	s23 =	sadd.s32 $0x0, s2;
	[sflag:s14] =	ssyncadd.s32 $0xFFFFD880  }
0x65: {  	[tilespmem:s22], [sflag:$0x2] =	stream.linear.gather [spmem:s23], $0x80, $0x38;
	[tilespmem:$0xA270] =	vst v63  }
0x66: {  	s23 =	simm.s32 $0x200  }
.LBB2_16:
0x67: {  	p3 =	sne.s32 s23, $0x9C00  }
.Ltmp10:
0x68: {  	_ = 	snop;
	(pc) =	sbr.rel @p3 .LBB2_16-.Ltmp10, $4  }
0x69: {  	_ = 	snop  }
0x6a: {  	s24 =	sshra.s32 s23, $0x2;
	s23 =	sadd.s32 $0x200, s23  }
0x6b: {  	s22 =	sadd.s32 $0x100, s22;
	s24 =	sadd.s32 s24, s2  }
0x6c: {  	[tilespmem:s22], [sflag:$0x2] =	stream.linear.gather [spmem:s24], $0x80, $0x38;
	[tilespmem:$0xA270] =	vst v63  }
0x6d: {  	_ =	swait.ge [sflag:s14], $0x2780  }
0x6e: {  	[sflag:s14] =	ssyncset.done $0x0  }
.Ltmp11:
0x6f: {  	[sflag:s14] =	ssyncadd.s32 $0xFFFFD880;
	(pc) =	sbr.rel .LBB2_18-.Ltmp11, $4  }
0x70: {  	[hbm4b:s10+s3] =	stream.linear.scatter [tilespmem:s19], [sflag:$0x2], $0x4F00, $0x38;
	[tilespmem:$0xA270] =	vst v63  }
0x71: {  	_ =	swait.ge [sflag:s14], $0x4F00  }
0x72: {  	[sflag:s14] =	ssyncset.done $0x0  }
0x73: {  	[sflag:s14] =	ssyncadd.s32 $0xFFFFB100  }
.LBB2_19:
0x74: {  	_ =	sfence.sel $0x180000  }
0x75: {  	[bflag:$0x0] =	sbarrier.arrive $0xFFFF  }
0x76: {  	_ =	strace $0x90000047  }
0x77: {  	s0 =	sadd.s32 @!p1 $0x100000, s0;
	[bflag:$0x2] =	sbarrier.arrive $0xFFFF  }
0x78: {  	[sflag:s0] =	ssyncadd.tile.s32 @!p1 $0x1;
	_ =	shalt  }
.Lfunc_end2:
_tile_overlayer_lowered:
.L_overlay_start_2:
0x79: {  	(tag) =	ssettag $0x2  }
0x7a: {  	s0 =	rddreg [dreg:$0x0];
	s2 =	stileid.u32  }
0x7b: {  	s1 =	rddreg [dreg:$0x1];
	p0 =	sne.s32 s2, $0x0  }
0x7c: {  	s3 =	rddreg [dreg:$0x2];
	[bflag:$0x3] =	sbarrier.arrive $0xFFFF;
	s2 =	simm.s32 @!p0 $0x1C02  }
0x7d: {  	[timem:s3], [sflag:s2] =	dma.local @!p0 [hbm:s0], s1  }
0x7e: {  	s0 =	simm.s32 @!p0 $0x2  }
0x7f: {  	_ =	swait.ge @!p0 [sflag:s0], s1  }
0x80: {  	s1 =	ssub.s32 @!p0 $0x0, s1;
	[sflag:s0] =	ssyncset.done @!p0 $0x0  }
0x81: {  	[sflag:s0] =	ssyncadd.s32 @!p0 s1  }
0x82: {  	[bflag:$0x3] =	sbarrier.arrive $0xFFFF  }
0x83: {  	_ =	shalt  }

// kernel: kernel.9.cloned.1.call-start
scs
__scs_entry_jumppad:
0x0: {  	(pc) =	sbr.rel $0x88, $3  }
0x1: {  	(tag) =	ssettag $0x0;
	lr =	simm.s32 $0x1  }
0x2: {  	[smem:$0x3F9F] =	sst lr;
	_ =	strace $0xD0000000  }
0x3: {  	_ = 	snop  }
0x4: {  	_ = 	snop  }
0x5: {  	_ = 	snop  }
0x6: {  	_ = 	snop  }
0x7: {  	_ = 	snop  }
__scs_overlays_trampoline_lowered:
0x8: {  	[smem:$0x3FAE] =	sst s0  }
0x9: {  	[smem:$0x3FAF] =	sst s1  }
0xa: {  	[smem:$0x3FB0] =	sst s2  }
0xb: {  	[smem:$0x3FB1] =	sst s3  }
0xc: {  	[smem:$0x3FB2] =	sst s4  }
0xd: {  	[smem:$0x3FB3] =	sst s5  }
0xe: {  	[smem:$0x3FB4] =	sst s6  }
0xf: {  	[smem:$0x3FB5] =	sst s7  }
0x10: {  	[smem:$0x3FB6] =	sst s8  }
0x11: {  	[smem:$0x3FB7] =	sst s9;
	s0 =	simm.s32 @!p0 $0x0  }
0x12: {  	s1 =	sld [smem:$0x3F9D];
	s0 =	simm.s32 @p0 $0x1  }
0x13: {  	[smem:$0x3FB8] =	sst s0;
	s0 =	simm.s32 @!p1 $0x0  }
0x14: {  	s2 =	sld [smem:$0x3F9C];
	s0 =	simm.s32 @p1 $0x1  }
0x15: {  	[smem:$0x3FB9] =	sst s0;
	s0 =	simm.s32 @!p2 $0x0  }
0x16: {  	s3 =	sld [smem:$0x3FDB];
	s0 =	simm.s32 @p2 $0x1  }
0x17: {  	s4 =	simm.s32 $0x1BF5;
	[smem:$0x3FBB] =	sst s0  }
0x18: {  	s0 =	sld [smem:$0x3F9E];
	_ =	swait.ge [sflag:s4], $0x0  }
0x19: {  	s7 =	sld [smem:$0x3F9F]  }
0x1a: {  	s8 =	sadd.s32 $0xFFFFE003, lr  }
0x1b: {  	s9 =	sadd.s32 $0xFFFFFEF7, lr;
	s5 =	simm.s32 $0xFFFFFFFF;
	p2 =	slt.u32 s8, $0xFFFFF086  }
0x1c: {  	p1 =	slt.u32 s9, $0xF7A;
	s5 =	simm.s32 @!p2 $0x0  }
0x1d: {  	s5 =	simm.s32 @p1 $0x1;
	p0 =	seq.s32 s7, s2  }
0x1e: {  	s7 =	smul.u32 @!p0 $0xF7A, s2;
	p2 =	seq.s32 @!p0 s5, $0x0  }
0x1f: {  	s9 =	smul.u32 $0xF7A, s1;
	s8 =	simm.s32 @!p0 $0x1BF5;
	p2 =	por !p2, p0  }
0x20: {  	[sflag:s8] =	ssyncset.s32 @!p0 $0xFFFFF086;
	s6 =	sadd.s32 @!p0 s3, s7;
	s7 =	simm.s32 @!p0 $0x108  }
0x21: {  	s3 =	sadd.s32 s3, s9;
	s6 =	sadd.s32 @!p0 $0x88, s6;
	s7 =	simm.s32 @p2 $0x1082  }
0x22: {  	[simem:s7], [sflag:s8] =	dma.local @!p0 [hbm:s6], $0xF7A  }
0x23: {  	s9 =	sor.u32 $0xD0000000, s2;
	s6 =	simm.s32 $0x108;
	_ =	swait.ge @!p0 [sflag:s8], $0x0  }
0x24: {  	s3 =	sadd.s32 $0x88, s3;
	s6 =	simm.s32 @!p1 $0x1082;
	[sflag:s4] =	ssyncset.s32 $0xFFFFF086  }
0x25: {  	[simem:s6], [sflag:s4] =	dma.local [hbm:s3], $0xF7A  }
0x26: {  	[smem:$0x3F9F] =	sst s1;
	(tag) =	ssettag s2;
	_ =	strace s9  }
0x27: {  	s1 =	sld [smem:$0x3FAF]  }
0x28: {  	s2 =	sld [smem:$0x3FB0]  }
0x29: {  	s4 =	sld [smem:$0x3FB2]  }
0x2a: {  	p0 =	seq.s32 s5, $0x0;
	s5 =	sld [smem:$0x3FB3]  }
0x2b: {  	s6 =	sld [smem:$0x3FB4]  }
0x2c: {  	s7 =	sld [smem:$0x3FB5]  }
0x2d: {  	s3 =	simm.s32 $0x108;
	s8 =	sld [smem:$0x3FB6]  }
0x2e: {  	s3 =	simm.s32 @!p0 $0x1082;
	s9 =	sld [smem:$0x3FB7]  }
0x2f: {  	lr =	sadd.s32 s0, s3;
	s0 =	sld [smem:$0x3FAE]  }
0x30: {  	s3 =	sld [smem:$0x3FB1]  }
0x31: {  	[smem:$0x3FBA] =	sst s10  }
0x32: {  	s10 =	sld [smem:$0x3FB8];
	_ =	sdelay $0x3  }
0x33: {  	p0 =	seq.s32 s10, $0x1;
	s10 =	sld [smem:$0x3FBA];
	_ =	sdelay $0x3  }
0x34: {  	[smem:$0x3FBA] =	sst s10  }
0x35: {  	s10 =	sld [smem:$0x3FB9];
	_ =	sdelay $0x3  }
0x36: {  	p1 =	seq.s32 s10, $0x1;
	s10 =	sld [smem:$0x3FBA];
	_ =	sdelay $0x3  }
0x37: {  	[smem:$0x3FBA] =	sst s10  }
0x38: {  	s10 =	sld [smem:$0x3FBB]  }
0x39: {  	_ = 	snop;
	(pc) =	sbr.ind lr, $3  }
0x3a: {  	_ = 	snop  }
0x3b: {  	_ = 	snop  }
0x3c: {  	p2 =	seq.s32 s10, $0x1;
	s10 =	sld [smem:$0x3FBA]  }
0x3d: {  	_ =	shalt  }
0x3e: {  	_ =	shalt  }
0x3f: {  	_ =	shalt  }
0x40: {  	_ =	shalt  }
0x41: {  	_ =	shalt  }
0x42: {  	_ =	shalt  }
0x43: {  	_ =	shalt  }
0x44: {  	_ =	shalt  }
0x45: {  	_ =	shalt  }
0x46: {  	_ =	shalt  }
0x47: {  	_ =	shalt  }
0x48: {  	_ =	shalt  }
0x49: {  	_ =	shalt  }
0x4a: {  	_ =	shalt  }
0x4b: {  	_ =	shalt  }
0x4c: {  	_ =	shalt  }
0x4d: {  	_ =	shalt  }
0x4e: {  	_ =	shalt  }
0x4f: {  	_ =	shalt  }
0x50: {  	_ =	shalt  }
0x51: {  	_ =	shalt  }
0x52: {  	_ =	shalt  }
0x53: {  	_ =	shalt  }
0x54: {  	_ =	shalt  }
0x55: {  	_ =	shalt  }
0x56: {  	_ =	shalt  }
0x57: {  	_ =	shalt  }
0x58: {  	_ =	shalt  }
0x59: {  	_ =	shalt  }
0x5a: {  	_ =	shalt  }
0x5b: {  	_ =	shalt  }
0x5c: {  	_ =	shalt  }
0x5d: {  	_ =	shalt  }
0x5e: {  	_ =	shalt  }
0x5f: {  	_ =	shalt  }
0x60: {  	_ =	shalt  }
0x61: {  	_ =	shalt  }
0x62: {  	_ =	shalt  }
0x63: {  	_ =	shalt  }
0x64: {  	_ =	shalt  }
0x65: {  	_ =	shalt  }
0x66: {  	_ =	shalt  }
0x67: {  	_ =	shalt  }
0x68: {  	_ =	shalt  }
0x69: {  	_ =	shalt  }
0x6a: {  	_ =	shalt  }
0x6b: {  	_ =	shalt  }
0x6c: {  	_ =	shalt  }
0x6d: {  	_ =	shalt  }
0x6e: {  	_ =	shalt  }
0x6f: {  	_ =	shalt  }
0x70: {  	_ =	shalt  }
0x71: {  	_ =	shalt  }
0x72: {  	_ =	shalt  }
0x73: {  	_ =	shalt  }
0x74: {  	_ =	shalt  }
0x75: {  	_ =	shalt  }
0x76: {  	_ =	shalt  }
0x77: {  	_ =	shalt  }
0x78: {  	_ =	shalt  }
0x79: {  	_ =	shalt  }
0x7a: {  	_ =	shalt  }
0x7b: {  	_ =	shalt  }
0x7c: {  	_ =	shalt  }
0x7d: {  	_ =	shalt  }
0x7e: {  	_ =	shalt  }
0x7f: {  	_ =	shalt  }
0x80: {  	_ =	shalt  }
0x81: {  	_ =	shalt  }
0x82: {  	_ =	shalt  }
0x83: {  	_ =	shalt  }
0x84: {  	_ =	shalt  }
0x85: {  	_ =	shalt  }
0x86: {  	_ =	shalt  }
0x87: {  	_ =	shalt  }
.Lfunc_end0:
.L_simem_size_0:
called_computation.1_lowered:
.L_overlay_start_0:
0x88: {  	s2 =	sld [smem:$0x3FD9]  }
0x89: {  	s3 =	sld [smem:$0x3FFE];
	_ =	sdelay $0x1  }
0x8a: {  	s1 =	srdreg.scid  }
0x8b: {  	s0 =	sand.u32 $0x1, s1  }
0x8c: {  	s17 =	sshll.u32 s0, $0xA;
	s2 =	sadd.s32 s3, s2  }
0x8d: {  	s2 =	sadd.s32 s2, s17  }
0x8e: {  	[smem:$0x3FC6] =	sst s2  }
0x8f: {  	_ = 	snop  }
0x90: {  	s2 =	sld [smem:$0x3FD0];
	(tm) =	ssettm $0x1  }
0x91: {  	s18 =	sld [smem:$0x3FFB];
	_ =	sdelay $0x3  }
0x92: {  	_ =	strace s18  }
0x93: {  	s3 =	sld [smem:$0x3FFC];
	_ =	sdelay $0x3  }
0x94: {  	_ =	strace s3  }
0x95: {  	s3 =	sld [smem:$0x3FFD];
	_ =	sdelay $0x3  }
0x96: {  	_ =	strace s3  }
0x97: {  	_ =	strace $0x8FFFFFFF  }
0x98: {  	s19 =	sld [smem:$0x3FDB];
	_ =	sdelay $0x1  }
0x99: {  	s4 =	simm.s32 $_scs_section_size  }
0x9a: {  	s5 =	simm.s32 $_size__tile_overlayer_lowered;
	s6 =	simm.s32 $_tile_overlayer_lowered  }
0x9b: {  	s22 =	simm.s32 $0x1BFF;
	s21 =	sshll.u32 s6, $0x1;
	s3 =	sadd.s32 s4, s19  }
0x9c: {  	s7 =	simm.s32 $0x0;
	s20 =	sshll.u32 s5, $0x1;
	s5 =	sadd.s32 s21, s3  }
0x9d: {  	[timem:s7], [sflag:s22] =	dma.local [hbm:s5], s20  }
0x9e: {  	_ =	swait.ge [sflag:s22], s20  }
0x9f: {  	s4 =	ssub.s32 $0x0, s20;
	[sflag:s22] =	ssyncset.done $0x0  }
0xa0: {  	[sflag:s22] =	ssyncadd.s32 s4;
	_ =	sdelay $0x1  }
0xa1: {  	s23 =	simm.s32 $0x1B8B  }
0xa2: {  	_ =	swait.ge [sflag:s23], $0x1  }
0xa3: {  	[sflag:s23] =	ssyncset.done $0x0  }
0xa4: {  	s25 =	simm.s32 $0x1B8E;
	s24 =	sld [smem:$0x3FFE];
	[sflag:s23] =	ssyncadd.s32 $0xFFFFFFFF  }
0xa5: {  	s26 =	simm.s32 $execute0_lowered;
	[smem:$0x3FD2] =	sst s25  }
0xa6: {  	s5 =	sshll.u32 s26, $0x1;
	_ =	strace $0x80000049;
	[dreg:$0x1] =	wrdreg $0xFFFFFFFF  }
0xa7: {  	s28 =	simm.s32 $_size_execute0_lowered;
	s3 =	sadd.s32 s3, s5;
	[dreg:$0x0] =	wrdreg $0x0  }
0xa8: {  	s5 =	sshll.u32 s28, $0x1;
	[dreg:$0x2] =	wrdreg s3  }
0xa9: {  	[dreg:$0x3] =	wrdreg s5  }
0xaa: {  	[dreg:$0x4] =	wrdreg $0xC0  }
0xab: {  	_ =	task [dreg:s7], $0x5FFFF  }
0xac: {  	[dreg:$0x1] =	wrdreg $0xFFFFFFFF  }
0xad: {  	[dreg:$0x0] =	wrdreg $0x60  }
0xae: {  	[dreg:$0x2] =	wrdreg s2  }
0xaf: {  	[dreg:$0x3] =	wrdreg s24  }
0xb0: {  	[dreg:$0x4] =	wrdreg $0x84000  }
0xb1: {  	[dreg:$0x5] =	wrdreg $0x9  }
0xb2: {  	_ =	task.clear_ibuf [dreg:s7], $0x6FFFF;
	_ =	strace $0x90000049  }
0xb3: {  	s29 =	simm.s32 $0x9;
	_ =	strace $0x8000004B  }
0xb4: {  	_ =	swait.ge [sflag:s29], $0x1  }
0xb5: {  	[sflag:s29] =	ssyncadd.s32 $0xFFFFFFFF  }
0xb6: {  	_ =	strace $0x9000004B  }
0xb7: {  	_ =	sfence  }
0xb8: {  	s30 =	sld [smem:$0x0];
	_ =	sdelay $0x2  }
0xb9: {  	s31 =	sshll.u32 s1, $0xD;
	s1 =	sshrl.u32 s1, $0x2  }
0xba: {  	s3 =	sand.u32 $0x4000, s31;
	s1 =	sadd.s32 s1, s30  }
0xbb: {  	s0 =	sor.u32 s3, s0;
	s1 =	sshll.u32 s1, $0x11  }
0xbc: {  	s0 =	sor.u32 s1, s0  }
0xbd: {  	s0 =	sadd.s32 $0x8F2B, s0  }
0xbe: {  	[sflag:s0] =	ssyncadd.remote.s32 $0x1  }
0xbf: {  	_ =	sfence.sel $0xFFFF  }
0xc0: {  	[dreg:$0x0] =	wrdreg $0xFFFFFFFF;
	(pc) =	sbr.abs _section_cstart, $3  }
0xc1: {  	[dreg:$0x1] =	wrdreg $0xFFFFFFFF  }
0xc2: {  	_ =	task.clear_ibuf [dreg:s7], $0x2FFFF;
	_ =	strace $0x9FFFFFFF  }
0xc3: {  	(tm) =	ssettm $0x7FFFFFFF  }
tec
execute0_lowered:
.L_overlay_start_1:
0x0: {  	(tag) =	ssettag $0x1  }
0x1: {  	s1 =	rddreg [dreg:$0x0]  }
0x2: {  	s0 =	rddreg [dreg:$0x1]  }
0x3: {  	s2 =	rddreg [dreg:$0x2]  }
0x4: {  	s3 =	simm.s32 $0x0;
	s4 =	srdreg.scid;
	s8 =	stileid.u32  }
0x5: {  	s28 =	simm.s32 $0x5;
	s29 =	simm.s32 $0x1;
	s30 =	simm.s32 $0x4  }
0x6: {  	s31 =	simm.s32 $0x4400;
	[smem:$0x7FF] =	sst s3;
	s5 =	sadd.s32 $0xB600, s0  }
0x7: {  	s7 =	sadd.s32 $0x1800, s0;
	s12 =	sand.u32 $0x1, s4;
	s4 =	sadd.s32 $0x15400, s0  }
0x8: {  	s9 =	smul.u32 $0x4E000, s8;
	s0 =	sadd.s32 $0x17C00, s0;
	s11 =	sshll.u32 s8, $0x1  }
0x9: {  	s19 =	sshll.u32 s8, $0x6;
	s20 =	sadd.s32 $0x138000, s2;
	s16 =	smul.u32 $0x13800, s8  }
0xa: {  	p0 =	sne.s32 s8, $0x0;
	p1 =	sgt.u32 s8, $0x1;
	_ =	strace $0x8000004A  }
0xb: {  	s6 =	ssub.s32 $0x2, s12;
	s11 =	sor.u32 s12, s11;
	[dreg:$0x5] =	wrdreg s19  }
0xc: {  	[dreg:$0x7] =	wrdreg s20;
	s15 =	smul.u32 $0x138800, s12;
	s10 =	sshrl.u32 s6, $0x1  }
0xd: {  	s18 =	sshrl.u32 s9, $0x2;
	s13 =	smul.u32 $0x4E0, s11;
	s14 =	sshll.u32 s11, $0x4  }
0xe: {  	s17 =	ssub.s32 s6, s10;
	s6 =	sadd.s32 s18, s2;
	s18 =	smul.u32 $0x9C, s8  }
0xf: {  	s14 =	sor.u32 $0x9C00, s14;
	s16 =	sadd.s32 s16, s15;
	s15 =	sshrl.u32 s15, $0x3  }
0x10: {  	[dreg:$0x4] =	wrdreg s6;
	s6 =	sor.u32 $0x1C05, s19;
	s21 =	sadd.s32 s5, s13  }
0x11: {  	s22 =	sadd.s32 s7, s13;
	s13 =	sor.u32 $0x10, s13;
	[dreg:$0x6] =	wrdreg s6  }
0x12: {  	s19 =	smul.u32 $0x4E, s12;
	s16 =	sshrl.u32 s16, $0x3;
	[dreg:$0x8] =	wrdreg s21  }
0x13: {  	s25 =	sadd.s32 s0, s15;
	s17 =	smax.u32 s17, $0x1;
	[dreg:$0x9] =	wrdreg s22  }
0x14: {  	s23 =	sadd.s32 s5, s13;
	s24 =	sadd.s32 s7, s13;
	s13 =	sadd.s32 s5, s14  }
0x15: {  	s14 =	sadd.s32 s7, s14;
	s15 =	sadd.s32 s0, s16;
	s16 =	sadd.s32 $0x27000, s25  }
.Ltmp0:
0x16: {  	s25 =	simm.s32 $0x400;
	s18 =	sadd.s32 s19, s18;
	(pc) =	sbr.rel .LBB2_1-.Ltmp0, $4  }
0x17: {  	s0 =	simm.s32 $0x6;
	[dreg:$0xa] =	wrdreg s23;
	s18 =	sshll.u32 s18, $0x4  }
0x18: {  	s22 =	simm.s32 $0x0;
	[dreg:$0xb] =	wrdreg s24;
	s26 =	sadd.s32 $0x20, s18  }
0x19: {  	s23 =	simm.s32 $0x3;
	s18 =	sadd.s32 s26, s5;
	s19 =	sadd.s32 s26, s7  }
0x1a: {  	s24 =	simm.s32 $0x80;
	s20 =	sadd.s32 $0x10, s18;
	s21 =	sadd.s32 $0x10, s19  }
.LBB2_4:
0x1b: {  	s6 =	simm.s32 @!p1 $0x0  }
0x1c: {  	[tilespmem:s6], [sflag:$0x3] =	stream.linear.gather @!p1 [hbm4b:s13+s6], $0x80, $0x38;
	[tilespmem:$0x1BC80] =	vst v63  }
0x1d: {  	s7 =	simm.s32 @!p1 $0x200;
	s8 =	simm.s32 @!p1 $0x3  }
0x1e: {  	[tilespmem:s7], [sflag:$0x3] =	stream.linear.gather @!p1 [hbm4b:s14+s6], $0x80, $0x38;
	[tilespmem:$0x1BC80] =	vst v63  }
0x1f: {  	_ =	swait.ge @!p1 [sflag:s8], $0x80  }
0x20: {  	[sflag:s8] =	ssyncset.done @!p1 $0x0  }
0x21: {  	[sflag:s8] =	ssyncadd.s32 @!p1 $0xFFFFFF80  }
0x22: {  	_ =	swait.ge @!p1 [sflag:s8], $0x80  }
0x23: {  	[sflag:s8] =	ssyncset.done @!p1 $0x0  }
0x24: {  	s9 =	simm.s32 @!p1 $0x400;
	[sflag:s8] =	ssyncadd.s32 @!p1 $0xFFFFFF80;
	s8 =	simm.s32 @!p1 $0x80  }
0x25: {  	[tilespmem:s9], [sflag:$0x1] =	stream.indirect.gather @!p1 [hbm4b:s1+s8], $0x80, s6, s8, $0xb8;
	[tilespmem:$0x1BC80] =	vst v63  }
0x26: {  	s6 =	simm.s32 @!p1 $0x1  }
0x27: {  	_ =	swait.ge @!p1 [sflag:s6], $0x4000  }
0x28: {  	[sflag:s6] =	ssyncset.done @!p1 $0x0  }
0x29: {  	[sflag:s6] =	ssyncadd.s32 @!p1 $0xFFFFC000;
	s6 =	simm.s32 @!p1 $0x6  }
0x2a: {  	[spmem:s2] =	stream.indirect.scatter.add.f32 @!p1 [tilespmem:s9], [sflag:$0x6], $0x80, s7, s8, $0xb8;
	[tilespmem:$0x1BC80] =	vst v63  }
0x2b: {  	_ =	swait.ge @!p1 [sflag:s6], $0x4000  }
0x2c: {  	[sflag:s6] =	ssyncset.done @!p1 $0x0  }
0x2d: {  	[sflag:s6] =	ssyncadd.s32 @!p1 $0xFFFFC000  }
0x2e: {  	[bflag:$0x0] =	sbarrier.arrive $0xFFFF  }
0x2f: {  	s12 =	rddreg [dreg:$0x5]  }
0x30: {  	s6 =	sor.u32 $0x1C06, s12  }
0x31: {  	[hbm:s15], [sflag:s6] =	dma.local [spmem:s5], $0x2700  }
0x32: {  	s22 =	sadd.s32 $0x1, s22;
	_ =	swait.ge [sflag:s0], $0x2700  }
0x33: {  	p2 =	sne.s32 s22, s17;
	[sflag:s0] =	ssyncset.done $0x0  }
.Ltmp1:
0x34: {  	s5 =	simm.s32 @!p0 $0x6;
	[sflag:s0] =	ssyncadd.s32 $0xFFFFD900;
	(pc) =	sbr.rel @!p2 .LBB2_5-.Ltmp1, $4  }
0x35: {  	[hbm:s16], [sflag:s6] =	dma.local @!p0 [spmem:s26], $0x100  }
0x36: {  	_ =	swait.ge @!p0 [sflag:s5], $0x100  }
0x37: {  	[sflag:s5] =	ssyncset.done @!p0 $0x0  }
0x38: {  	[sflag:s5] =	ssyncadd.s32 @!p0 $0xFFFFFF00  }
.LBB2_1:
0x39: {  	s5 =	rddreg [dreg:$0x4]  }
0x3a: {  	s6 =	rddreg [dreg:$0x6];
	s5 =	sshrl.u32 s5, $0x3  }
0x3b: {  	[spmem:s5], [sflag:s6] =	dma.local [hbm:s4], $0x2700  }
0x3c: {  	s6 =	rddreg [dreg:$0x7]  }
0x3d: {  	s7 =	simm.s32 @!p0 $0x1C06;
	s26 =	sshrl.u32 @!p0 s6, $0x3  }
0x3e: {  	[spmem:s26], [sflag:s7] =	dma.local @!p0 [hbm:s4], $0x100  }
0x3f: {  	s7 =	simm.s32 @!p0 $0x6  }
0x40: {  	_ =	swait.ge @!p0 [sflag:s7], $0x100  }
0x41: {  	[sflag:s7] =	ssyncset.done @!p0 $0x0  }
0x42: {  	[sflag:s7] =	ssyncadd.s32 @!p0 $0xFFFFFF00;
	s7 =	rddreg [dreg:$0x8]  }
0x43: {  	[tilespmem:s3], [sflag:$0x3] =	stream.linear.gather [hbm4b:s7+s3], $0x80, $0x38;
	[tilespmem:$0x1BC80] =	vst v63  }
0x44: {  	s9 =	simm.s32 $0x200;
	s8 =	rddreg [dreg:$0x9]  }
0x45: {  	[tilespmem:s9], [sflag:$0x3] =	stream.linear.gather [hbm4b:s8+s3], $0x80, $0x38;
	[tilespmem:$0x1BC80] =	vst v63  }
0x46: {  	_ =	swait.ge [sflag:s23], $0x80  }
0x47: {  	[sflag:s23] =	ssyncset.done $0x0  }
0x48: {  	[sflag:s23] =	ssyncadd.s32 $0xFFFFFF80  }
0x49: {  	_ =	swait.ge [sflag:s23], $0x80  }
0x4a: {  	[sflag:s23] =	ssyncset.done $0x0  }
0x4b: {  	[sflag:s23] =	ssyncadd.s32 $0xFFFFFF80  }
0x4c: {  	[tilespmem:s25], [sflag:$0x1] =	stream.indirect.gather [hbm4b:s1+s24], $0x80, s3, s24, $0xb8;
	[tilespmem:$0x1BC80] =	vst v63  }
0x4d: {  	s10 =	rddreg [dreg:$0xa]  }
0x4e: {  	[tilespmem:s24], [sflag:$0x4] =	stream.linear.gather [hbm4b:s10+s3], $0x80, $0x38;
	[tilespmem:$0x1BC80] =	vst v63  }
0x4f: {  	s12 =	simm.s32 $0x280;
	s11 =	rddreg [dreg:$0xb]  }
0x50: {  	[tilespmem:s12], [sflag:$0x4] =	stream.linear.gather [hbm4b:s11+s3], $0x80, $0x38;
	[tilespmem:$0x1BC80] =	vst v63  }
0x51: {  	_ =	swait.ge [sflag:s28], $0x2700  }
0x52: {  	[sflag:s28] =	ssyncset.done $0x0  }
0x53: {  	[sflag:s28] =	ssyncadd.s32 $0xFFFFD900  }
0x54: {  	s7 =	simm.s32 $0x0;
	s8 =	simm.s32 $0x0;
	[bflag:$0x0] =	sbarrier.arrive $0xFFFF  }
.LBB2_2:
0x55: {  	_ =	swait.ge [sflag:s29], $0x4000  }
0x56: {  	[sflag:s29] =	ssyncset.done $0x0  }
0x57: {  	[sflag:s29] =	ssyncadd.s32 $0xFFFFC000  }
0x58: {  	_ =	swait.ge [sflag:s30], $0x80  }
0x59: {  	[sflag:s30] =	ssyncset.done $0x0  }
0x5a: {  	[sflag:s30] =	ssyncadd.s32 $0xFFFFFF80  }
0x5b: {  	_ =	swait.ge [sflag:s30], $0x80  }
0x5c: {  	s9 =	sand.u32 $0x100, s7;
	[sflag:s30] =	ssyncset.done $0x0  }
0x5d: {  	s6 =	sor.u32 $0x80, s9;
	[sflag:s30] =	ssyncadd.s32 $0xFFFFFF80  }
0x5e: {  	[tilespmem:s31], [sflag:$0x2] =	stream.indirect.gather [hbm4b:s1+s24], $0x80, s6, s24, $0xb8;
	[tilespmem:$0x1BC80] =	vst v63  }
0x5f: {  	s9 =	sor.u32 $0x200, s9  }
0x60: {  	[spmem:s2] =	stream.indirect.scatter.add.f32 [tilespmem:s25], [sflag:$0x6], $0x80, s9, s24, $0xb8;
	[tilespmem:$0x1BC80] =	vst v63  }
0x61: {  	_ =	swait.ge [sflag:s0], $0x4000  }
0x62: {  	p2 =	seq.s32 s8, $0x4C0;
	[sflag:s0] =	ssyncset.done $0x0  }
0x63: {  	s9 =	simm.s32 @p2 $0x2;
	[sflag:s0] =	ssyncadd.s32 $0xFFFFC000  }
0x64: {  	_ =	swait.ge @p2 [sflag:s9], $0x4000  }
0x65: {  	[sflag:s9] =	ssyncset.done @p2 $0x0  }
0x66: {  	[sflag:s9] =	ssyncadd.s32 @p2 $0xFFFFC000;
	s9 =	sxor.u32 @!p2 $0xFFFFFFFF, s7  }
0x67: {  	s10 =	sadd.s32 @!p2 s8, s18;
	s11 =	simm.s32 @!p2 $0x0;
	s9 =	sand.u32 @!p2 $0x100, s9  }
0x68: {  	[tilespmem:s9], [sflag:$0x3] =	stream.linear.gather @!p2 [hbm4b:s10+s11], $0x80, $0x38;
	[tilespmem:$0x1BC80] =	vst v63  }
0x69: {  	s12 =	sadd.s32 @!p2 s8, s19;
	s10 =	sor.u32 @!p2 $0x200, s9  }
0x6a: {  	[tilespmem:s10], [sflag:$0x3] =	stream.linear.gather @!p2 [hbm4b:s12+s11], $0x80, $0x38;
	[tilespmem:$0x1BC80] =	vst v63  }
0x6b: {  	s10 =	simm.s32 @!p2 $0x2  }
0x6c: {  	_ =	swait.ge @!p2 [sflag:s10], $0x4000  }
0x6d: {  	[sflag:s10] =	ssyncset.done @!p2 $0x0  }
0x6e: {  	[sflag:s10] =	ssyncadd.s32 @!p2 $0xFFFFC000;
	s10 =	simm.s32 @!p2 $0x3  }
0x6f: {  	_ =	swait.ge @!p2 [sflag:s10], $0x80  }
0x70: {  	[sflag:s10] =	ssyncset.done @!p2 $0x0  }
0x71: {  	[sflag:s10] =	ssyncadd.s32 @!p2 $0xFFFFFF80  }
0x72: {  	_ =	swait.ge @!p2 [sflag:s10], $0x80  }
0x73: {  	[sflag:s10] =	ssyncset.done @!p2 $0x0  }
0x74: {  	s11 =	simm.s32 @!p2 $0x400;
	[sflag:s10] =	ssyncadd.s32 @!p2 $0xFFFFFF80;
	s10 =	simm.s32 @!p2 $0x80  }
0x75: {  	[tilespmem:s11], [sflag:$0x1] =	stream.indirect.gather @!p2 [hbm4b:s1+s10], $0x80, s9, s10, $0xb8;
	[tilespmem:$0x1BC80] =	vst v63  }
.Ltmp2:
0x76: {  	s6 =	sor.u32 $0x200, s6;
	(pc) =	sbr.rel @p2 .LBB2_4-.Ltmp2, $4  }
0x77: {  	[spmem:s2] =	stream.indirect.scatter.add.f32 [tilespmem:s31], [sflag:$0x6], $0x80, s6, s24, $0xb8;
	[tilespmem:$0x1BC80] =	vst v63  }
0x78: {  	_ =	swait.ge [sflag:s0], $0x4000  }
0x79: {  	[sflag:s0] =	ssyncset.done $0x0  }
0x7a: {  	[sflag:s0] =	ssyncadd.s32 $0xFFFFC000  }
.Ltmp3:
0x7b: {  	s6 =	sadd.s32 $0x180, s7;
	(pc) =	sbr.rel .LBB2_2-.Ltmp3, $4  }
0x7c: {  	s9 =	sadd.s32 s8, s20;
	s12 =	sadd.s32 s8, s21;
	s6 =	sand.u32 $0x180, s6  }
0x7d: {  	[tilespmem:s6], [sflag:$0x4] =	stream.linear.gather [hbm4b:s9+s3], $0x80, $0x38;
	[tilespmem:$0x1BC80] =	vst v63  }
0x7e: {  	s8 =	sadd.s32 $0x20, s8;
	s7 =	sadd.s32 $0x100, s7;
	s6 =	sor.u32 $0x200, s6  }
0x7f: {  	[tilespmem:s6], [sflag:$0x4] =	stream.linear.gather [hbm4b:s12+s3], $0x80, $0x38;
	[tilespmem:$0x1BC80] =	vst v63  }
.LBB2_5:
0x80: {  	_ =	sfence.sel $0x180000  }
0x81: {  	[bflag:$0x0] =	sbarrier.arrive $0xFFFF  }
0x82: {  	_ =	strace $0x9000004A  }
0x83: {  	[bflag:$0x2] =	sbarrier.arrive $0xFFFF  }
0x84: {  	s0 =	rddreg [dreg:$0x3]  }
0x85: {  	s0 =	sadd.s32 @!p0 $0x100000, s0  }
0x86: {  	[sflag:s0] =	ssyncadd.tile.s32 @!p0 $0x1;
	_ =	shalt  }
.Lfunc_end2:
_tile_overlayer_lowered:
.L_overlay_start_2:
0x87: {  	(tag) =	ssettag $0x2  }
0x88: {  	s0 =	rddreg [dreg:$0x0];
	s2 =	stileid.u32  }
0x89: {  	s1 =	rddreg [dreg:$0x1];
	p0 =	sne.s32 s2, $0x0  }
0x8a: {  	s3 =	rddreg [dreg:$0x2];
	[bflag:$0x3] =	sbarrier.arrive $0xFFFF;
	s2 =	simm.s32 @!p0 $0x1C06  }
0x8b: {  	[timem:s3], [sflag:s2] =	dma.local @!p0 [hbm:s0], s1  }
0x8c: {  	s0 =	simm.s32 @!p0 $0x6  }
0x8d: {  	_ =	swait.ge @!p0 [sflag:s0], s1  }
0x8e: {  	s1 =	ssub.s32 @!p0 $0x0, s1;
	[sflag:s0] =	ssyncset.done @!p0 $0x0  }
0x8f: {  	[sflag:s0] =	ssyncadd.s32 @!p0 s1  }
0x90: {  	[bflag:$0x3] =	sbarrier.arrive $0xFFFF  }
0x91: {  	_ =	shalt  }

</sc_bundles>
